<compile_context>
chip_gen: v7x
topology: tpu7x:2x2x1
jax: 0.10.2.dev20260603
libtpu: 0.0.44.dev20260713+nightly
codegen_flags: <defaults>
</compile_context>

<pallas_src>
import functools

import jax
import jax.numpy as jnp
from jax import lax
from jax.experimental import pallas as pl
from jax.experimental.pallas import tpu as pltpu
from jax.experimental.pallas import tpu_sc as plsc

NB = 8192
D = 64
TM = 1024

def _argmin_body(x_ref, cb_ref, xsq_ref, csq_ref, iota_ref, idx_ref):
    xs = x_ref[...] * -2.0
    mm = lax.dot_general(xs, cb_ref[...], (((1,), (1,)), ((), ())),
                         preferred_element_type=jnp.float32)
    dist = (xsq_ref[...] + mm) + csq_ref[...]
    m = jnp.min(dist, axis=-1, keepdims=True)
    cand = jnp.where(dist == m, iota_ref[...], jnp.float32(NB))
    col = jnp.min(cand, axis=-1, keepdims=True).astype(jnp.int32)
    idx_ref[...] = lax.transpose(col, (1, 0))


def _argmin_call(x, cb, xsq, csq):
    M = x.shape[0]
    iota_row = jnp.arange(NB, dtype=jnp.float32)[None, :]
    return pl.pallas_call(
        _argmin_body,
        grid=(M // TM,),
        in_specs=[
            pl.BlockSpec((TM, D), lambda i: (i, 0)),
            pl.BlockSpec((NB, D), lambda i: (0, 0)),
            pl.BlockSpec((TM, 1), lambda i: (i, 0)),
            pl.BlockSpec((1, NB), lambda i: (0, 0)),
            pl.BlockSpec((1, NB), lambda i: (0, 0)),
        ],
        out_specs=pl.BlockSpec((1, TM), lambda i: (0, i)),
        out_shape=jax.ShapeDtypeStruct((1, M), jnp.int32),
        compiler_params=pltpu.CompilerParams(
            dimension_semantics=("parallel",)),
    )(x, cb, xsq, csq, iota_row)


def _sc_stage(cb, idx, xf, xd1):
    stage2 = xd1 is not None
    info = plsc.get_sparse_core_info()
    NC, NS, L = info.num_cores, info.num_subcores, info.num_lanes
    NW = NC * NS
    M = idx.shape[0]
    bpw = M // NW
    CPT = D // L
    mesh = plsc.VectorSubcoreMesh(core_axis_name="c", subcore_axis_name="s")

    scratch = [
        pltpu.VMEM((bpw,), jnp.int32),
        pltpu.VMEM((bpw, D), jnp.float32),
        pltpu.VMEM((bpw, D), jnp.float32),
        pltpu.SemaphoreType.DMA,
    ]
    if stage2:
        scratch.insert(3, pltpu.VMEM((bpw, D), jnp.float32))

    @functools.partial(
        pl.kernel,
        out_type=[jax.ShapeDtypeStruct((M, D), jnp.float32),
                  jax.ShapeDtypeStruct((M, D), jnp.float32)],
        mesh=mesh,
        scratch_types=scratch,
        compiler_params=pltpu.CompilerParams(use_tc_tiling_on_sc=False),
    )
    def k(cb_hbm, idx_hbm, xf_hbm, *rest):
        if stage2:
            (xd1_hbm, rows_hbm, ew_hbm,
             idx_v, rows_v, xf_v, xd1_v, sem) = rest
        else:
            (rows_hbm, ew_hbm,
             idx_v, rows_v, xf_v, sem) = rest
        c = lax.axis_index("c")
        s = lax.axis_index("s")
        wid = s * NC + c
        base = wid * bpw

        pltpu.sync_copy(idx_hbm.at[pl.ds(base, bpw)], idx_v)
        pltpu.async_copy(cb_hbm.at[idx_v], rows_v, sem).wait()
        pltpu.sync_copy(rows_v, rows_hbm.at[pl.ds(base, bpw)])

        pltpu.sync_copy(xf_hbm.at[pl.ds(base, bpw)], xf_v)
        if stage2:
            pltpu.sync_copy(xd1_hbm.at[pl.ds(base, bpw)], xd1_v)

            def ebody(t, _):
                for cc in range(CPT):
                    sl = pl.ds(cc * L, L)
                    xfv = xf_v[t, sl]
                    rows_v[t, sl] = xfv + ((xd1_v[t, sl] + rows_v[t, sl])
                                           - xfv)
                return 0
        else:

            def ebody(t, _):
                for cc in range(CPT):
                    sl = pl.ds(cc * L, L)
                    rows_v[t, sl] = xf_v[t, sl] - rows_v[t, sl]
                return 0

        lax.fori_loop(0, bpw, ebody, 0)
        pltpu.sync_copy(rows_v, ew_hbm.at[pl.ds(base, bpw)])

    if stage2:
        return k(cb, idx, xf, xd1)
    return k(cb, idx, xf)


def _sc_hist(idx):
    info = plsc.get_sparse_core_info()
    NC, NS, L = info.num_cores, info.num_subcores, info.num_lanes
    NW = NC * NS
    M = idx.shape[0]
    bpw = M // NW
    zsl = NB // NS
    mesh = plsc.VectorSubcoreMesh(core_axis_name="c", subcore_axis_name="s")

    @functools.partial(
        pl.kernel,
        out_type=jax.ShapeDtypeStruct((NC, NB), jnp.float32),
        mesh=mesh,
        scratch_types=[
            pltpu.VMEM((bpw,), jnp.int32),
            pltpu.VMEM((bpw,), jnp.float32),
            pltpu.VMEM((zsl,), jnp.float32),
            pltpu.VMEM_SHARED((NB,), jnp.float32),
        ],
        compiler_params=pltpu.CompilerParams(use_tc_tiling_on_sc=False),
    )
    def k(idx_hbm, cnt_hbm, idx_v, ones_v, z_v, cnt_sp):
        c = lax.axis_index("c")
        s = lax.axis_index("s")
        wid = s * NC + c
        base = wid * bpw

        def zbody(i, _):
            z_v[pl.ds(i * L, L)] = jnp.zeros((L,), jnp.float32)
            return 0

        lax.fori_loop(0, zsl // L, zbody, 0, unroll=True)
        pltpu.sync_copy(z_v, cnt_sp.at[pl.ds(s * zsl, zsl)])

        def obody(i, _):
            ones_v[pl.ds(i * L, L)] = jnp.full((L,), 1.0, jnp.float32)
            return 0

        lax.fori_loop(0, bpw // L, obody, 0, unroll=True)

        pltpu.sync_copy(idx_hbm.at[pl.ds(base, bpw)], idx_v)

        plsc.subcore_barrier()
        pltpu.sync_copy(ones_v, cnt_sp.at[idx_v], add=True)
        plsc.subcore_barrier()

        @pl.when(s == 0)
        def _():
            pltpu.sync_copy(cnt_sp, cnt_hbm.at[c])

    return k(idx)


def _perplexity_from_counts(cnt):
    code_count = cnt[0] + cnt[1]
    prob = code_count / jnp.sum(code_count)
    return jnp.exp(-jnp.sum(prob * jnp.log(prob + 1e-07)))


def kernel(x, codebook1, codebook2):
    N, width, T = x.shape
    xf = jnp.transpose(x, (0, 2, 1)).reshape(-1, width)

    xsq1 = jnp.sum(xf ** 2, axis=-1, keepdims=True)
    csq1 = jnp.sum(codebook1 ** 2, axis=-1)[None, :]
    idx1 = _argmin_call(xf, codebook1, xsq1, csq1).reshape(-1)
    x_d1, x_res = _sc_stage(codebook1, idx1, xf, None)
    cnt1 = _sc_hist(idx1)

    xsq2 = jnp.sum(x_res ** 2, axis=-1, keepdims=True)
    csq2 = jnp.sum(codebook2 ** 2, axis=-1)[None, :]
    idx2 = _argmin_call(x_res, codebook2, xsq2, csq2).reshape(-1)
    x_d2, x_d_flat = _sc_stage(codebook2, idx2, xf, x_d1)
    cnt2 = _sc_hist(idx2)

    perplexity1 = _perplexity_from_counts(cnt1)
    perplexity2 = _perplexity_from_counts(cnt2)

    x_d = jnp.transpose(x_d_flat.reshape(N, T, width), (0, 2, 1))
    return (x_d, (xf, x_d1, x_d2), (perplexity1, perplexity2))

# --- scband reference (transcript-rebuilt; emitter-appended) ---
"""Pipeline reference for scband-res-quantize-87866440942167 (READ-ONLY COPY).

The authoritative reference and input builder live on the scoring server;
editing this copy changes nothing except your own understanding.
"""

import jax, jax.numpy as jnp
import numpy as np

NB_CODE = 8192
CODE_DIM = 64


def _perplexity(code_idx, nb_code):
    code_count = jnp.bincount(code_idx, length=nb_code).astype(jnp.float32)
    prob = code_count / jnp.sum(code_count)
    return jnp.exp(-jnp.sum(prob * jnp.log(prob + 1e-07)))


def setup_inputs(seed: int = 0) -> dict:
    key = jax.random.key(seed)
    k1, k2, k3 = jax.random.split(key, 3)
    x = jax.random.normal(k1, (4, CODE_DIM, 1024), dtype=jnp.float32)
    codebook1 = jax.random.normal(k2, (NB_CODE, CODE_DIM), dtype=jnp.float32)
    codebook2 = jax.random.normal(k3, (NB_CODE, CODE_DIM), dtype=jnp.float32)
    return {"x": x, "codebook1": codebook1, "codebook2": codebook2}


def reference(x, codebook1, codebook2):
    # eval-mode forward of ResQuantize (residual VQ with 2 codebooks)
    N, width, T = x.shape
    xf = jnp.transpose(x, (0, 2, 1)).reshape(-1, width)
    # quantize stage 1
    dist1 = (jnp.sum(xf ** 2, axis=-1, keepdims=True)
             - 2.0 * jnp.matmul(xf, codebook1.T)
             + jnp.sum(codebook1 ** 2, axis=-1)[None, :])
    code_idx1 = jnp.argmin(dist1, axis=-1)
    x_d1 = jnp.take(codebook1, code_idx1, axis=0)
    # quantize residual, stage 2
    x_res = xf - x_d1
    dist2 = (jnp.sum(x_res ** 2, axis=-1, keepdims=True)
             - 2.0 * jnp.matmul(x_res, codebook2.T)
             + jnp.sum(codebook2 ** 2, axis=-1)[None, :])
    code_idx2 = jnp.argmin(dist2, axis=-1)
    x_d2 = jnp.take(codebook2, code_idx2, axis=0)
    perplexity1 = _perplexity(code_idx1, NB_CODE)
    perplexity2 = _perplexity(code_idx2, NB_CODE)
    commit_x = xf
    commit_x_d1 = jax.lax.stop_gradient(x_d1)
    commit_x_d2 = jax.lax.stop_gradient(x_d2)
    # straight-through estimator
    x_d = xf + jax.lax.stop_gradient(x_d1 + x_d2 - xf)
    x_d = jnp.transpose(x_d.reshape(N, T, width), (0, 2, 1))
    return (x_d, (commit_x, commit_x_d1, commit_x_d2), (perplexity1, perplexity2))

if __name__ == "__main__":
    import jax
    _d = setup_inputs()
    print(jax.jit(kernel)(*tuple(_d.values())))

</pallas_src>

<mosaic_0001>
#map = affine_map<(d0, d1) -> (0)>
#map1 = affine_map<(d0, d1) -> (0, 0)>
module attributes {stable_mosaic.version = 14 : i64} {
  func.func @k(%arg0: i32, %arg1: i32, %arg2: memref<4096xi32, #tpu.memory_space<hbm>>, %arg3: memref<2x8192xf32, #tpu.memory_space<hbm>>, %arg4: memref<128xi32, #tpu.memory_space<vmem>>, %arg5: memref<128xf32, #tpu.memory_space<vmem>>, %arg6: memref<512xf32, #tpu.memory_space<vmem>>, %arg7: memref<8192xf32, #tpu.memory_space<vmem_shared>>) attributes {dimension_semantics = [#tpu.dimension_semantics<core_parallel>, #tpu.dimension_semantics<subcore_parallel>], iteration_bounds = array<i64: 2, 16>, scalar_prefetch = 0 : i64, scratch_operands = 4 : i64, tpu.core_type = #tpu.core_type<sc_vector_subcore>, window_params = [{transform_indices = #map}, {transform_indices = #map1}]} {
    %mul3A = arith.constant 2 : i32
    %mul3A_0 = arith.muli %arg1, %mul3A : i32
    %add3A = arith.addi %mul3A_0, %arg0 : i32
    %mul3A_1 = arith.constant 128 : i32
    %mul3A_2 = arith.muli %add3A, %mul3A_1 : i32
    %scan3A = arith.constant 0 : i32
    %scan3A_3 = arith.constant 0 : i32
    %broadcast_in_dim3A = arith.constant 0.000000e+00 : f32
    %broadcast_in_dim3A_4 = vector.broadcast %broadcast_in_dim3A : f32 to vector<16xf32>
    %mul3A_5 = arith.constant 16 : i32
    %mul3A_6 = arith.muli %scan3A_3, %mul3A_5 : i32
    %swap3A = arith.index_cast %mul3A_6 : i32 to index
    %swap3A_7 = tpu.vector_load %arg6[%swap3A] {strides = array<i32>} : memref<512xf32, #tpu.memory_space<vmem>>, vector<16xf32>,
    %swap3A_8 = vector.shape_cast %swap3A_7 : vector<16xf32> to vector<16xf32>
    %swap3A_9 = vector.shape_cast %broadcast_in_dim3A_4 : vector<16xf32> to vector<16xf32>
    tpu.vector_store %arg6[%swap3A], %swap3A_9 {strides = array<i32>} : memref<512xf32, #tpu.memory_space<vmem>>, vector<16xf32>,
    %scan3A_10 = arith.constant 0 : i32
    %scan3A_11 = arith.constant 1 : i32
    %broadcast_in_dim3A_12 = arith.constant 0.000000e+00 : f32
    %broadcast_in_dim3A_13 = vector.broadcast %broadcast_in_dim3A_12 : f32 to vector<16xf32>
    %mul3A_14 = arith.constant 16 : i32
    %mul3A_15 = arith.muli %scan3A_11, %mul3A_14 : i32
    %swap3A_16 = arith.index_cast %mul3A_15 : i32 to index
    %swap3A_17 = tpu.vector_load %arg6[%swap3A_16] {strides = array<i32>} : memref<512xf32, #tpu.memory_space<vmem>>, vector<16xf32>,
    %swap3A_18 = vector.shape_cast %swap3A_17 : vector<16xf32> to vector<16xf32>
    %swap3A_19 = vector.shape_cast %broadcast_in_dim3A_13 : vector<16xf32> to vector<16xf32>
    tpu.vector_store %arg6[%swap3A_16], %swap3A_19 {strides = array<i32>} : memref<512xf32, #tpu.memory_space<vmem>>, vector<16xf32>,
    %scan3A_20 = arith.constant 0 : i32
    %scan3A_21 = arith.constant 2 : i32
    %broadcast_in_dim3A_22 = arith.constant 0.000000e+00 : f32
    %broadcast_in_dim3A_23 = vector.broadcast %broadcast_in_dim3A_22 : f32 to vector<16xf32>
    %mul3A_24 = arith.constant 16 : i32
    %mul3A_25 = arith.muli %scan3A_21, %mul3A_24 : i32
    %swap3A_26 = arith.index_cast %mul3A_25 : i32 to index
    %swap3A_27 = tpu.vector_load %arg6[%swap3A_26] {strides = array<i32>} : memref<512xf32, #tpu.memory_space<vmem>>, vector<16xf32>,
    %swap3A_28 = vector.shape_cast %swap3A_27 : vector<16xf32> to vector<16xf32>
    %swap3A_29 = vector.shape_cast %broadcast_in_dim3A_23 : vector<16xf32> to vector<16xf32>
    tpu.vector_store %arg6[%swap3A_26], %swap3A_29 {strides = array<i32>} : memref<512xf32, #tpu.memory_space<vmem>>, vector<16xf32>,
    %scan3A_30 = arith.constant 0 : i32
    %scan3A_31 = arith.constant 3 : i32
    %broadcast_in_dim3A_32 = arith.constant 0.000000e+00 : f32
    %broadcast_in_dim3A_33 = vector.broadcast %broadcast_in_dim3A_32 : f32 to vector<16xf32>
    %mul3A_34 = arith.constant 16 : i32
    %mul3A_35 = arith.muli %scan3A_31, %mul3A_34 : i32
    %swap3A_36 = arith.index_cast %mul3A_35 : i32 to index
    %swap3A_37 = tpu.vector_load %arg6[%swap3A_36] {strides = array<i32>} : memref<512xf32, #tpu.memory_space<vmem>>, vector<16xf32>,
    %swap3A_38 = vector.shape_cast %swap3A_37 : vector<16xf32> to vector<16xf32>
    %swap3A_39 = vector.shape_cast %broadcast_in_dim3A_33 : vector<16xf32> to vector<16xf32>
    tpu.vector_store %arg6[%swap3A_36], %swap3A_39 {strides = array<i32>} : memref<512xf32, #tpu.memory_space<vmem>>, vector<16xf32>,
    %scan3A_40 = arith.constant 0 : i32
    %scan3A_41 = arith.constant 4 : i32
    %broadcast_in_dim3A_42 = arith.constant 0.000000e+00 : f32
    %broadcast_in_dim3A_43 = vector.broadcast %broadcast_in_dim3A_42 : f32 to vector<16xf32>
    %mul3A_44 = arith.constant 16 : i32
    %mul3A_45 = arith.muli %scan3A_41, %mul3A_44 : i32
    %swap3A_46 = arith.index_cast %mul3A_45 : i32 to index
    %swap3A_47 = tpu.vector_load %arg6[%swap3A_46] {strides = array<i32>} : memref<512xf32, #tpu.memory_space<vmem>>, vector<16xf32>,
    %swap3A_48 = vector.shape_cast %swap3A_47 : vector<16xf32> to vector<16xf32>
    %swap3A_49 = vector.shape_cast %broadcast_in_dim3A_43 : vector<16xf32> to vector<16xf32>
    tpu.vector_store %arg6[%swap3A_46], %swap3A_49 {strides = array<i32>} : memref<512xf32, #tpu.memory_space<vmem>>, vector<16xf32>,
    %scan3A_50 = arith.constant 0 : i32
    %scan3A_51 = arith.constant 5 : i32
    %broadcast_in_dim3A_52 = arith.constant 0.000000e+00 : f32
    %broadcast_in_dim3A_53 = vector.broadcast %broadcast_in_dim3A_52 : f32 to vector<16xf32>
    %mul3A_54 = arith.constant 16 : i32
    %mul3A_55 = arith.muli %scan3A_51, %mul3A_54 : i32
    %swap3A_56 = arith.index_cast %mul3A_55 : i32 to index
    %swap3A_57 = tpu.vector_load %arg6[%swap3A_56] {strides = array<i32>} : memref<512xf32, #tpu.memory_space<vmem>>, vector<16xf32>,
    %swap3A_58 = vector.shape_cast %swap3A_57 : vector<16xf32> to vector<16xf32>
    %swap3A_59 = vector.shape_cast %broadcast_in_dim3A_53 : vector<16xf32> to vector<16xf32>
    tpu.vector_store %arg6[%swap3A_56], %swap3A_59 {strides = array<i32>} : memref<512xf32, #tpu.memory_space<vmem>>, vector<16xf32>,
    %scan3A_60 = arith.constant 0 : i32
    %scan3A_61 = arith.constant 6 : i32
    %broadcast_in_dim3A_62 = arith.constant 0.000000e+00 : f32
    %broadcast_in_dim3A_63 = vector.broadcast %broadcast_in_dim3A_62 : f32 to vector<16xf32>
    %mul3A_64 = arith.constant 16 : i32
    %mul3A_65 = arith.muli %scan3A_61, %mul3A_64 : i32
    %swap3A_66 = arith.index_cast %mul3A_65 : i32 to index
    %swap3A_67 = tpu.vector_load %arg6[%swap3A_66] {strides = array<i32>} : memref<512xf32, #tpu.memory_space<vmem>>, vector<16xf32>,
    %swap3A_68 = vector.shape_cast %swap3A_67 : vector<16xf32> to vector<16xf32>
    %swap3A_69 = vector.shape_cast %broadcast_in_dim3A_63 : vector<16xf32> to vector<16xf32>
    tpu.vector_store %arg6[%swap3A_66], %swap3A_69 {strides = array<i32>} : memref<512xf32, #tpu.memory_space<vmem>>, vector<16xf32>,
    %scan3A_70 = arith.constant 0 : i32
    %scan3A_71 = arith.constant 7 : i32
    %broadcast_in_dim3A_72 = arith.constant 0.000000e+00 : f32
    %broadcast_in_dim3A_73 = vector.broadcast %broadcast_in_dim3A_72 : f32 to vector<16xf32>
    %mul3A_74 = arith.constant 16 : i32
    %mul3A_75 = arith.muli %scan3A_71, %mul3A_74 : i32
    %swap3A_76 = arith.index_cast %mul3A_75 : i32 to index
    %swap3A_77 = tpu.vector_load %arg6[%swap3A_76] {strides = array<i32>} : memref<512xf32, #tpu.memory_space<vmem>>, vector<16xf32>,
    %swap3A_78 = vector.shape_cast %swap3A_77 : vector<16xf32> to vector<16xf32>
    %swap3A_79 = vector.shape_cast %broadcast_in_dim3A_73 : vector<16xf32> to vector<16xf32>
    tpu.vector_store %arg6[%swap3A_76], %swap3A_79 {strides = array<i32>} : memref<512xf32, #tpu.memory_space<vmem>>, vector<16xf32>,
    %scan3A_80 = arith.constant 0 : i32
    %scan3A_81 = arith.constant 8 : i32
    %broadcast_in_dim3A_82 = arith.constant 0.000000e+00 : f32
    %broadcast_in_dim3A_83 = vector.broadcast %broadcast_in_dim3A_82 : f32 to vector<16xf32>
    %mul3A_84 = arith.constant 16 : i32
    %mul3A_85 = arith.muli %scan3A_81, %mul3A_84 : i32
    %swap3A_86 = arith.index_cast %mul3A_85 : i32 to index
    %swap3A_87 = tpu.vector_load %arg6[%swap3A_86] {strides = array<i32>} : memref<512xf32, #tpu.memory_space<vmem>>, vector<16xf32>,
    %swap3A_88 = vector.shape_cast %swap3A_87 : vector<16xf32> to vector<16xf32>
    %swap3A_89 = vector.shape_cast %broadcast_in_dim3A_83 : vector<16xf32> to vector<16xf32>
    tpu.vector_store %arg6[%swap3A_86], %swap3A_89 {strides = array<i32>} : memref<512xf32, #tpu.memory_space<vmem>>, vector<16xf32>,
    %scan3A_90 = arith.constant 0 : i32
    %scan3A_91 = arith.constant 9 : i32
    %broadcast_in_dim3A_92 = arith.constant 0.000000e+00 : f32
    %broadcast_in_dim3A_93 = vector.broadcast %broadcast_in_dim3A_92 : f32 to vector<16xf32>
    %mul3A_94 = arith.constant 16 : i32
    %mul3A_95 = arith.muli %scan3A_91, %mul3A_94 : i32
    %swap3A_96 = arith.index_cast %mul3A_95 : i32 to index
    %swap3A_97 = tpu.vector_load %arg6[%swap3A_96] {strides = array<i32>} : memref<512xf32, #tpu.memory_space<vmem>>, vector<16xf32>,
    %swap3A_98 = vector.shape_cast %swap3A_97 : vector<16xf32> to vector<16xf32>
    %swap3A_99 = vector.shape_cast %broadcast_in_dim3A_93 : vector<16xf32> to vector<16xf32>
    tpu.vector_store %arg6[%swap3A_96], %swap3A_99 {strides = array<i32>} : memref<512xf32, #tpu.memory_space<vmem>>, vector<16xf32>,
    %scan3A_100 = arith.constant 0 : i32
    %scan3A_101 = arith.constant 10 : i32
    %broadcast_in_dim3A_102 = arith.constant 0.000000e+00 : f32
    %broadcast_in_dim3A_103 = vector.broadcast %broadcast_in_dim3A_102 : f32 to vector<16xf32>
    %mul3A_104 = arith.constant 16 : i32
    %mul3A_105 = arith.muli %scan3A_101, %mul3A_104 : i32
    %swap3A_106 = arith.index_cast %mul3A_105 : i32 to index
    %swap3A_107 = tpu.vector_load %arg6[%swap3A_106] {strides = array<i32>} : memref<512xf32, #tpu.memory_space<vmem>>, vector<16xf32>,
    %swap3A_108 = vector.shape_cast %swap3A_107 : vector<16xf32> to vector<16xf32>
    %swap3A_109 = vector.shape_cast %broadcast_in_dim3A_103 : vector<16xf32> to vector<16xf32>
    tpu.vector_store %arg6[%swap3A_106], %swap3A_109 {strides = array<i32>} : memref<512xf32, #tpu.memory_space<vmem>>, vector<16xf32>,
    %scan3A_110 = arith.constant 0 : i32
    %scan3A_111 = arith.constant 11 : i32
    %broadcast_in_dim3A_112 = arith.constant 0.000000e+00 : f32
    %broadcast_in_dim3A_113 = vector.broadcast %broadcast_in_dim3A_112 : f32 to vector<16xf32>
    %mul3A_114 = arith.constant 16 : i32
    %mul3A_115 = arith.muli %scan3A_111, %mul3A_114 : i32
    %swap3A_116 = arith.index_cast %mul3A_115 : i32 to index
    %swap3A_117 = tpu.vector_load %arg6[%swap3A_116] {strides = array<i32>} : memref<512xf32, #tpu.memory_space<vmem>>, vector<16xf32>,
    %swap3A_118 = vector.shape_cast %swap3A_117 : vector<16xf32> to vector<16xf32>
    %swap3A_119 = vector.shape_cast %broadcast_in_dim3A_113 : vector<16xf32> to vector<16xf32>
    tpu.vector_store %arg6[%swap3A_116], %swap3A_119 {strides = array<i32>} : memref<512xf32, #tpu.memory_space<vmem>>, vector<16xf32>,
    %scan3A_120 = arith.constant 0 : i32
    %scan3A_121 = arith.constant 12 : i32
    %broadcast_in_dim3A_122 = arith.constant 0.000000e+00 : f32
    %broadcast_in_dim3A_123 = vector.broadcast %broadcast_in_dim3A_122 : f32 to vector<16xf32>
    %mul3A_124 = arith.constant 16 : i32
    %mul3A_125 = arith.muli %scan3A_121, %mul3A_124 : i32
    %swap3A_126 = arith.index_cast %mul3A_125 : i32 to index
    %swap3A_127 = tpu.vector_load %arg6[%swap3A_126] {strides = array<i32>} : memref<512xf32, #tpu.memory_space<vmem>>, vector<16xf32>,
    %swap3A_128 = vector.shape_cast %swap3A_127 : vector<16xf32> to vector<16xf32>
    %swap3A_129 = vector.shape_cast %broadcast_in_dim3A_123 : vector<16xf32> to vector<16xf32>
    tpu.vector_store %arg6[%swap3A_126], %swap3A_129 {strides = array<i32>} : memref<512xf32, #tpu.memory_space<vmem>>, vector<16xf32>,
    %scan3A_130 = arith.constant 0 : i32
    %scan3A_131 = arith.constant 13 : i32
    %broadcast_in_dim3A_132 = arith.constant 0.000000e+00 : f32
    %broadcast_in_dim3A_133 = vector.broadcast %broadcast_in_dim3A_132 : f32 to vector<16xf32>
    %mul3A_134 = arith.constant 16 : i32
    %mul3A_135 = arith.muli %scan3A_131, %mul3A_134 : i32
    %swap3A_136 = arith.index_cast %mul3A_135 : i32 to index
    %swap3A_137 = tpu.vector_load %arg6[%swap3A_136] {strides = array<i32>} : memref<512xf32, #tpu.memory_space<vmem>>, vector<16xf32>,
    %swap3A_138 = vector.shape_cast %swap3A_137 : vector<16xf32> to vector<16xf32>
    %swap3A_139 = vector.shape_cast %broadcast_in_dim3A_133 : vector<16xf32> to vector<16xf32>
    tpu.vector_store %arg6[%swap3A_136], %swap3A_139 {strides = array<i32>} : memref<512xf32, #tpu.memory_space<vmem>>, vector<16xf32>,
    %scan3A_140 = arith.constant 0 : i32
    %scan3A_141 = arith.constant 14 : i32
    %broadcast_in_dim3A_142 = arith.constant 0.000000e+00 : f32
    %broadcast_in_dim3A_143 = vector.broadcast %broadcast_in_dim3A_142 : f32 to vector<16xf32>
    %mul3A_144 = arith.constant 16 : i32
    %mul3A_145 = arith.muli %scan3A_141, %mul3A_144 : i32
    %swap3A_146 = arith.index_cast %mul3A_145 : i32 to index
    %swap3A_147 = tpu.vector_load %arg6[%swap3A_146] {strides = array<i32>} : memref<512xf32, #tpu.memory_space<vmem>>, vector<16xf32>,
    %swap3A_148 = vector.shape_cast %swap3A_147 : vector<16xf32> to vector<16xf32>
    %swap3A_149 = vector.shape_cast %broadcast_in_dim3A_143 : vector<16xf32> to vector<16xf32>
    tpu.vector_store %arg6[%swap3A_146], %swap3A_149 {strides = array<i32>} : memref<512xf32, #tpu.memory_space<vmem>>, vector<16xf32>,
    %scan3A_150 = arith.constant 0 : i32
    %scan3A_151 = arith.constant 15 : i32
    %broadcast_in_dim3A_152 = arith.constant 0.000000e+00 : f32
    %broadcast_in_dim3A_153 = vector.broadcast %broadcast_in_dim3A_152 : f32 to vector<16xf32>
    %mul3A_154 = arith.constant 16 : i32
    %mul3A_155 = arith.muli %scan3A_151, %mul3A_154 : i32
    %swap3A_156 = arith.index_cast %mul3A_155 : i32 to index
    %swap3A_157 = tpu.vector_load %arg6[%swap3A_156] {strides = array<i32>} : memref<512xf32, #tpu.memory_space<vmem>>, vector<16xf32>,
    %swap3A_158 = vector.shape_cast %swap3A_157 : vector<16xf32> to vector<16xf32>
    %swap3A_159 = vector.shape_cast %broadcast_in_dim3A_153 : vector<16xf32> to vector<16xf32>
    tpu.vector_store %arg6[%swap3A_156], %swap3A_159 {strides = array<i32>} : memref<512xf32, #tpu.memory_space<vmem>>, vector<16xf32>,
    %scan3A_160 = arith.constant 0 : i32
    %scan3A_161 = arith.constant 16 : i32
    %broadcast_in_dim3A_162 = arith.constant 0.000000e+00 : f32
    %broadcast_in_dim3A_163 = vector.broadcast %broadcast_in_dim3A_162 : f32 to vector<16xf32>
    %mul3A_164 = arith.constant 16 : i32
    %mul3A_165 = arith.muli %scan3A_161, %mul3A_164 : i32
    %swap3A_166 = arith.index_cast %mul3A_165 : i32 to index
    %swap3A_167 = tpu.vector_load %arg6[%swap3A_166] {strides = array<i32>} : memref<512xf32, #tpu.memory_space<vmem>>, vector<16xf32>,
    %swap3A_168 = vector.shape_cast %swap3A_167 : vector<16xf32> to vector<16xf32>
    %swap3A_169 = vector.shape_cast %broadcast_in_dim3A_163 : vector<16xf32> to vector<16xf32>
    tpu.vector_store %arg6[%swap3A_166], %swap3A_169 {strides = array<i32>} : memref<512xf32, #tpu.memory_space<vmem>>, vector<16xf32>,
    %scan3A_170 = arith.constant 0 : i32
    %scan3A_171 = arith.constant 17 : i32
    %broadcast_in_dim3A_172 = arith.constant 0.000000e+00 : f32
    %broadcast_in_dim3A_173 = vector.broadcast %broadcast_in_dim3A_172 : f32 to vector<16xf32>
    %mul3A_174 = arith.constant 16 : i32
    %mul3A_175 = arith.muli %scan3A_171, %mul3A_174 : i32
    %swap3A_176 = arith.index_cast %mul3A_175 : i32 to index
    %swap3A_177 = tpu.vector_load %arg6[%swap3A_176] {strides = array<i32>} : memref<512xf32, #tpu.memory_space<vmem>>, vector<16xf32>,
    %swap3A_178 = vector.shape_cast %swap3A_177 : vector<16xf32> to vector<16xf32>
    %swap3A_179 = vector.shape_cast %broadcast_in_dim3A_173 : vector<16xf32> to vector<16xf32>
    tpu.vector_store %arg6[%swap3A_176], %swap3A_179 {strides = array<i32>} : memref<512xf32, #tpu.memory_space<vmem>>, vector<16xf32>,
    %scan3A_180 = arith.constant 0 : i32
    %scan3A_181 = arith.constant 18 : i32
    %broadcast_in_dim3A_182 = arith.constant 0.000000e+00 : f32
    %broadcast_in_dim3A_183 = vector.broadcast %broadcast_in_dim3A_182 : f32 to vector<16xf32>
    %mul3A_184 = arith.constant 16 : i32
    %mul3A_185 = arith.muli %scan3A_181, %mul3A_184 : i32
    %swap3A_186 = arith.index_cast %mul3A_185 : i32 to index
    %swap3A_187 = tpu.vector_load %arg6[%swap3A_186] {strides = array<i32>} : memref<512xf32, #tpu.memory_space<vmem>>, vector<16xf32>,
    %swap3A_188 = vector.shape_cast %swap3A_187 : vector<16xf32> to vector<16xf32>
    %swap3A_189 = vector.shape_cast %broadcast_in_dim3A_183 : vector<16xf32> to vector<16xf32>
    tpu.vector_store %arg6[%swap3A_186], %swap3A_189 {strides = array<i32>} : memref<512xf32, #tpu.memory_space<vmem>>, vector<16xf32>,
    %scan3A_190 = arith.constant 0 : i32
    %scan3A_191 = arith.constant 19 : i32
    %broadcast_in_dim3A_192 = arith.constant 0.000000e+00 : f32
    %broadcast_in_dim3A_193 = vector.broadcast %broadcast_in_dim3A_192 : f32 to vector<16xf32>
    %mul3A_194 = arith.constant 16 : i32
    %mul3A_195 = arith.muli %scan3A_191, %mul3A_194 : i32
    %swap3A_196 = arith.index_cast %mul3A_195 : i32 to index
    %swap3A_197 = tpu.vector_load %arg6[%swap3A_196] {strides = array<i32>} : memref<512xf32, #tpu.memory_space<vmem>>, vector<16xf32>,
    %swap3A_198 = vector.shape_cast %swap3A_197 : vector<16xf32> to vector<16xf32>
    %swap3A_199 = vector.shape_cast %broadcast_in_dim3A_193 : vector<16xf32> to vector<16xf32>
    tpu.vector_store %arg6[%swap3A_196], %swap3A_199 {strides = array<i32>} : memref<512xf32, #tpu.memory_space<vmem>>, vector<16xf32>,
    %scan3A_200 = arith.constant 0 : i32
    %scan3A_201 = arith.constant 20 : i32
    %broadcast_in_dim3A_202 = arith.constant 0.000000e+00 : f32
    %broadcast_in_dim3A_203 = vector.broadcast %broadcast_in_dim3A_202 : f32 to vector<16xf32>
    %mul3A_204 = arith.constant 16 : i32
    %mul3A_205 = arith.muli %scan3A_201, %mul3A_204 : i32
    %swap3A_206 = arith.index_cast %mul3A_205 : i32 to index
    %swap3A_207 = tpu.vector_load %arg6[%swap3A_206] {strides = array<i32>} : memref<512xf32, #tpu.memory_space<vmem>>, vector<16xf32>,
    %swap3A_208 = vector.shape_cast %swap3A_207 : vector<16xf32> to vector<16xf32>
    %swap3A_209 = vector.shape_cast %broadcast_in_dim3A_203 : vector<16xf32> to vector<16xf32>
    tpu.vector_store %arg6[%swap3A_206], %swap3A_209 {strides = array<i32>} : memref<512xf32, #tpu.memory_space<vmem>>, vector<16xf32>,
    %scan3A_210 = arith.constant 0 : i32
    %scan3A_211 = arith.constant 21 : i32
    %broadcast_in_dim3A_212 = arith.constant 0.000000e+00 : f32
    %broadcast_in_dim3A_213 = vector.broadcast %broadcast_in_dim3A_212 : f32 to vector<16xf32>
    %mul3A_214 = arith.constant 16 : i32
    %mul3A_215 = arith.muli %scan3A_211, %mul3A_214 : i32
    %swap3A_216 = arith.index_cast %mul3A_215 : i32 to index
    %swap3A_217 = tpu.vector_load %arg6[%swap3A_216] {strides = array<i32>} : memref<512xf32, #tpu.memory_space<vmem>>, vector<16xf32>,
    %swap3A_218 = vector.shape_cast %swap3A_217 : vector<16xf32> to vector<16xf32>
    %swap3A_219 = vector.shape_cast %broadcast_in_dim3A_213 : vector<16xf32> to vector<16xf32>
    tpu.vector_store %arg6[%swap3A_216], %swap3A_219 {strides = array<i32>} : memref<512xf32, #tpu.memory_space<vmem>>, vector<16xf32>,
    %scan3A_220 = arith.constant 0 : i32
    %scan3A_221 = arith.constant 22 : i32
    %broadcast_in_dim3A_222 = arith.constant 0.000000e+00 : f32
    %broadcast_in_dim3A_223 = vector.broadcast %broadcast_in_dim3A_222 : f32 to vector<16xf32>
    %mul3A_224 = arith.constant 16 : i32
    %mul3A_225 = arith.muli %scan3A_221, %mul3A_224 : i32
    %swap3A_226 = arith.index_cast %mul3A_225 : i32 to index
    %swap3A_227 = tpu.vector_load %arg6[%swap3A_226] {strides = array<i32>} : memref<512xf32, #tpu.memory_space<vmem>>, vector<16xf32>,
    %swap3A_228 = vector.shape_cast %swap3A_227 : vector<16xf32> to vector<16xf32>
    %swap3A_229 = vector.shape_cast %broadcast_in_dim3A_223 : vector<16xf32> to vector<16xf32>
    tpu.vector_store %arg6[%swap3A_226], %swap3A_229 {strides = array<i32>} : memref<512xf32, #tpu.memory_space<vmem>>, vector<16xf32>,
    %scan3A_230 = arith.constant 0 : i32
    %scan3A_231 = arith.constant 23 : i32
    %broadcast_in_dim3A_232 = arith.constant 0.000000e+00 : f32
    %broadcast_in_dim3A_233 = vector.broadcast %broadcast_in_dim3A_232 : f32 to vector<16xf32>
    %mul3A_234 = arith.constant 16 : i32
    %mul3A_235 = arith.muli %scan3A_231, %mul3A_234 : i32
    %swap3A_236 = arith.index_cast %mul3A_235 : i32 to index
    %swap3A_237 = tpu.vector_load %arg6[%swap3A_236] {strides = array<i32>} : memref<512xf32, #tpu.memory_space<vmem>>, vector<16xf32>,
    %swap3A_238 = vector.shape_cast %swap3A_237 : vector<16xf32> to vector<16xf32>
    %swap3A_239 = vector.shape_cast %broadcast_in_dim3A_233 : vector<16xf32> to vector<16xf32>
    tpu.vector_store %arg6[%swap3A_236], %swap3A_239 {strides = array<i32>} : memref<512xf32, #tpu.memory_space<vmem>>, vector<16xf32>,
    %scan3A_240 = arith.constant 0 : i32
    %scan3A_241 = arith.constant 24 : i32
    %broadcast_in_dim3A_242 = arith.constant 0.000000e+00 : f32
    %broadcast_in_dim3A_243 = vector.broadcast %broadcast_in_dim3A_242 : f32 to vector<16xf32>
    %mul3A_244 = arith.constant 16 : i32
    %mul3A_245 = arith.muli %scan3A_241, %mul3A_244 : i32
    %swap3A_246 = arith.index_cast %mul3A_245 : i32 to index
    %swap3A_247 = tpu.vector_load %arg6[%swap3A_246] {strides = array<i32>} : memref<512xf32, #tpu.memory_space<vmem>>, vector<16xf32>,
    %swap3A_248 = vector.shape_cast %swap3A_247 : vector<16xf32> to vector<16xf32>
    %swap3A_249 = vector.shape_cast %broadcast_in_dim3A_243 : vector<16xf32> to vector<16xf32>
    tpu.vector_store %arg6[%swap3A_246], %swap3A_249 {strides = array<i32>} : memref<512xf32, #tpu.memory_space<vmem>>, vector<16xf32>,
    %scan3A_250 = arith.constant 0 : i32
    %scan3A_251 = arith.constant 25 : i32
    %broadcast_in_dim3A_252 = arith.constant 0.000000e+00 : f32
    %broadcast_in_dim3A_253 = vector.broadcast %broadcast_in_dim3A_252 : f32 to vector<16xf32>
    %mul3A_254 = arith.constant 16 : i32
    %mul3A_255 = arith.muli %scan3A_251, %mul3A_254 : i32
    %swap3A_256 = arith.index_cast %mul3A_255 : i32 to index
    %swap3A_257 = tpu.vector_load %arg6[%swap3A_256] {strides = array<i32>} : memref<512xf32, #tpu.memory_space<vmem>>, vector<16xf32>,
    %swap3A_258 = vector.shape_cast %swap3A_257 : vector<16xf32> to vector<16xf32>
    %swap3A_259 = vector.shape_cast %broadcast_in_dim3A_253 : vector<16xf32> to vector<16xf32>
    tpu.vector_store %arg6[%swap3A_256], %swap3A_259 {strides = array<i32>} : memref<512xf32, #tpu.memory_space<vmem>>, vector<16xf32>,
    %scan3A_260 = arith.constant 0 : i32
    %scan3A_261 = arith.constant 26 : i32
    %broadcast_in_dim3A_262 = arith.constant 0.000000e+00 : f32
    %broadcast_in_dim3A_263 = vector.broadcast %broadcast_in_dim3A_262 : f32 to vector<16xf32>
    %mul3A_264 = arith.constant 16 : i32
    %mul3A_265 = arith.muli %scan3A_261, %mul3A_264 : i32
    %swap3A_266 = arith.index_cast %mul3A_265 : i32 to index
    %swap3A_267 = tpu.vector_load %arg6[%swap3A_266] {strides = array<i32>} : memref<512xf32, #tpu.memory_space<vmem>>, vector<16xf32>,
    %swap3A_268 = vector.shape_cast %swap3A_267 : vector<16xf32> to vector<16xf32>
    %swap3A_269 = vector.shape_cast %broadcast_in_dim3A_263 : vector<16xf32> to vector<16xf32>
    tpu.vector_store %arg6[%swap3A_266], %swap3A_269 {strides = array<i32>} : memref<512xf32, #tpu.memory_space<vmem>>, vector<16xf32>,
    %scan3A_270 = arith.constant 0 : i32
    %scan3A_271 = arith.constant 27 : i32
    %broadcast_in_dim3A_272 = arith.constant 0.000000e+00 : f32
    %broadcast_in_dim3A_273 = vector.broadcast %broadcast_in_dim3A_272 : f32 to vector<16xf32>
    %mul3A_274 = arith.constant 16 : i32
    %mul3A_275 = arith.muli %scan3A_271, %mul3A_274 : i32
    %swap3A_276 = arith.index_cast %mul3A_275 : i32 to index
    %swap3A_277 = tpu.vector_load %arg6[%swap3A_276] {strides = array<i32>} : memref<512xf32, #tpu.memory_space<vmem>>, vector<16xf32>,
    %swap3A_278 = vector.shape_cast %swap3A_277 : vector<16xf32> to vector<16xf32>
    %swap3A_279 = vector.shape_cast %broadcast_in_dim3A_273 : vector<16xf32> to vector<16xf32>
    tpu.vector_store %arg6[%swap3A_276], %swap3A_279 {strides = array<i32>} : memref<512xf32, #tpu.memory_space<vmem>>, vector<16xf32>,
    %scan3A_280 = arith.constant 0 : i32
    %scan3A_281 = arith.constant 28 : i32
    %broadcast_in_dim3A_282 = arith.constant 0.000000e+00 : f32
    %broadcast_in_dim3A_283 = vector.broadcast %broadcast_in_dim3A_282 : f32 to vector<16xf32>
    %mul3A_284 = arith.constant 16 : i32
    %mul3A_285 = arith.muli %scan3A_281, %mul3A_284 : i32
    %swap3A_286 = arith.index_cast %mul3A_285 : i32 to index
    %swap3A_287 = tpu.vector_load %arg6[%swap3A_286] {strides = array<i32>} : memref<512xf32, #tpu.memory_space<vmem>>, vector<16xf32>,
    %swap3A_288 = vector.shape_cast %swap3A_287 : vector<16xf32> to vector<16xf32>
    %swap3A_289 = vector.shape_cast %broadcast_in_dim3A_283 : vector<16xf32> to vector<16xf32>
    tpu.vector_store %arg6[%swap3A_286], %swap3A_289 {strides = array<i32>} : memref<512xf32, #tpu.memory_space<vmem>>, vector<16xf32>,
    %scan3A_290 = arith.constant 0 : i32
    %scan3A_291 = arith.constant 29 : i32
    %broadcast_in_dim3A_292 = arith.constant 0.000000e+00 : f32
    %broadcast_in_dim3A_293 = vector.broadcast %broadcast_in_dim3A_292 : f32 to vector<16xf32>
    %mul3A_294 = arith.constant 16 : i32
    %mul3A_295 = arith.muli %scan3A_291, %mul3A_294 : i32
    %swap3A_296 = arith.index_cast %mul3A_295 : i32 to index
    %swap3A_297 = tpu.vector_load %arg6[%swap3A_296] {strides = array<i32>} : memref<512xf32, #tpu.memory_space<vmem>>, vector<16xf32>,
    %swap3A_298 = vector.shape_cast %swap3A_297 : vector<16xf32> to vector<16xf32>
    %swap3A_299 = vector.shape_cast %broadcast_in_dim3A_293 : vector<16xf32> to vector<16xf32>
    tpu.vector_store %arg6[%swap3A_296], %swap3A_299 {strides = array<i32>} : memref<512xf32, #tpu.memory_space<vmem>>, vector<16xf32>,
    %scan3A_300 = arith.constant 0 : i32
    %scan3A_301 = arith.constant 30 : i32
    %broadcast_in_dim3A_302 = arith.constant 0.000000e+00 : f32
    %broadcast_in_dim3A_303 = vector.broadcast %broadcast_in_dim3A_302 : f32 to vector<16xf32>
    %mul3A_304 = arith.constant 16 : i32
    %mul3A_305 = arith.muli %scan3A_301, %mul3A_304 : i32
    %swap3A_306 = arith.index_cast %mul3A_305 : i32 to index
    %swap3A_307 = tpu.vector_load %arg6[%swap3A_306] {strides = array<i32>} : memref<512xf32, #tpu.memory_space<vmem>>, vector<16xf32>,
    %swap3A_308 = vector.shape_cast %swap3A_307 : vector<16xf32> to vector<16xf32>
    %swap3A_309 = vector.shape_cast %broadcast_in_dim3A_303 : vector<16xf32> to vector<16xf32>
    tpu.vector_store %arg6[%swap3A_306], %swap3A_309 {strides = array<i32>} : memref<512xf32, #tpu.memory_space<vmem>>, vector<16xf32>,
    %scan3A_310 = arith.constant 0 : i32
    %scan3A_311 = arith.constant 31 : i32
    %broadcast_in_dim3A_312 = arith.constant 0.000000e+00 : f32
    %broadcast_in_dim3A_313 = vector.broadcast %broadcast_in_dim3A_312 : f32 to vector<16xf32>
    %mul3A_314 = arith.constant 16 : i32
    %mul3A_315 = arith.muli %scan3A_311, %mul3A_314 : i32
    %swap3A_316 = arith.index_cast %mul3A_315 : i32 to index
    %swap3A_317 = tpu.vector_load %arg6[%swap3A_316] {strides = array<i32>} : memref<512xf32, #tpu.memory_space<vmem>>, vector<16xf32>,
    %swap3A_318 = vector.shape_cast %swap3A_317 : vector<16xf32> to vector<16xf32>
    %swap3A_319 = vector.shape_cast %broadcast_in_dim3A_313 : vector<16xf32> to vector<16xf32>
    tpu.vector_store %arg6[%swap3A_316], %swap3A_319 {strides = array<i32>} : memref<512xf32, #tpu.memory_space<vmem>>, vector<16xf32>,
    %scan3A_320 = arith.constant 0 : i32
    %scan3A_321 = arith.constant 32 : i32
    %mul3A_322 = arith.constant 512 : i32
    %mul3A_323 = arith.muli %arg1, %mul3A_322 : i32
    "tpu.region"() ({
      %run_scoped3A = tpu.sem_alloc : memref<!tpu.dma_semaphore, #tpu.memory_space<semaphore_mem>>
      %dma_start3A = tpu.memref_slice %arg7[%mul3A_323] : memref<8192xf32, #tpu.memory_space<vmem_shared>> -> memref<512xf32, #tpu.memory_space<vmem_shared>>
      %dma_start3A_409 = tpu.memref_slice %arg7[%mul3A_323] : memref<8192xf32, #tpu.memory_space<vmem_shared>> -> memref<512xf32, #tpu.memory_space<vmem_shared>>
      tpu.enqueue_dma source(%arg6 : memref<512xf32, #tpu.memory_space<vmem>>) target(%dma_start3A_409 : memref<512xf32, #tpu.memory_space<vmem_shared>>) target_semaphore(%run_scoped3A : memref<!tpu.dma_semaphore, #tpu.memory_space<semaphore_mem>>)
      %dma_wait3A = tpu.memref_slice %arg7[%mul3A_323] : memref<8192xf32, #tpu.memory_space<vmem_shared>> -> memref<512xf32, #tpu.memory_space<vmem_shared>>
      %dma_wait3A_410 = tpu.memref_slice %arg7[%mul3A_323] : memref<8192xf32, #tpu.memory_space<vmem_shared>> -> memref<512xf32, #tpu.memory_space<vmem_shared>>
      tpu.wait_dma2 semaphore(%run_scoped3A : memref<!tpu.dma_semaphore, #tpu.memory_space<semaphore_mem>>) src(%arg6 : memref<512xf32, #tpu.memory_space<vmem>>) dst(%dma_wait3A_410 : memref<512xf32, #tpu.memory_space<vmem_shared>>)
      tpu.yield
    }) : () -> ()
    %scan3A_324 = arith.constant 0 : i32
    %scan3A_325 = arith.constant 0 : i32
    %broadcast_in_dim3A_326 = arith.constant 1.000000e+00 : f32
    %broadcast_in_dim3A_327 = vector.broadcast %broadcast_in_dim3A_326 : f32 to vector<16xf32>
    %mul3A_328 = arith.constant 16 : i32
    %mul3A_329 = arith.muli %scan3A_325, %mul3A_328 : i32
    %swap3A_330 = arith.index_cast %mul3A_329 : i32 to index
    %swap3A_331 = tpu.vector_load %arg5[%swap3A_330] {strides = array<i32>} : memref<128xf32, #tpu.memory_space<vmem>>, vector<16xf32>,
    %swap3A_332 = vector.shape_cast %swap3A_331 : vector<16xf32> to vector<16xf32>
    %swap3A_333 = vector.shape_cast %broadcast_in_dim3A_327 : vector<16xf32> to vector<16xf32>
    tpu.vector_store %arg5[%swap3A_330], %swap3A_333 {strides = array<i32>} : memref<128xf32, #tpu.memory_space<vmem>>, vector<16xf32>,
    %scan3A_334 = arith.constant 0 : i32
    %scan3A_335 = arith.constant 1 : i32
    %broadcast_in_dim3A_336 = arith.constant 1.000000e+00 : f32
    %broadcast_in_dim3A_337 = vector.broadcast %broadcast_in_dim3A_336 : f32 to vector<16xf32>
    %mul3A_338 = arith.constant 16 : i32
    %mul3A_339 = arith.muli %scan3A_335, %mul3A_338 : i32
    %swap3A_340 = arith.index_cast %mul3A_339 : i32 to index
    %swap3A_341 = tpu.vector_load %arg5[%swap3A_340] {strides = array<i32>} : memref<128xf32, #tpu.memory_space<vmem>>, vector<16xf32>,
    %swap3A_342 = vector.shape_cast %swap3A_341 : vector<16xf32> to vector<16xf32>
    %swap3A_343 = vector.shape_cast %broadcast_in_dim3A_337 : vector<16xf32> to vector<16xf32>
    tpu.vector_store %arg5[%swap3A_340], %swap3A_343 {strides = array<i32>} : memref<128xf32, #tpu.memory_space<vmem>>, vector<16xf32>,
    %scan3A_344 = arith.constant 0 : i32
    %scan3A_345 = arith.constant 2 : i32
    %broadcast_in_dim3A_346 = arith.constant 1.000000e+00 : f32
    %broadcast_in_dim3A_347 = vector.broadcast %broadcast_in_dim3A_346 : f32 to vector<16xf32>
    %mul3A_348 = arith.constant 16 : i32
    %mul3A_349 = arith.muli %scan3A_345, %mul3A_348 : i32
    %swap3A_350 = arith.index_cast %mul3A_349 : i32 to index
    %swap3A_351 = tpu.vector_load %arg5[%swap3A_350] {strides = array<i32>} : memref<128xf32, #tpu.memory_space<vmem>>, vector<16xf32>,
    %swap3A_352 = vector.shape_cast %swap3A_351 : vector<16xf32> to vector<16xf32>
    %swap3A_353 = vector.shape_cast %broadcast_in_dim3A_347 : vector<16xf32> to vector<16xf32>
    tpu.vector_store %arg5[%swap3A_350], %swap3A_353 {strides = array<i32>} : memref<128xf32, #tpu.memory_space<vmem>>, vector<16xf32>,
    %scan3A_354 = arith.constant 0 : i32
    %scan3A_355 = arith.constant 3 : i32
    %broadcast_in_dim3A_356 = arith.constant 1.000000e+00 : f32
    %broadcast_in_dim3A_357 = vector.broadcast %broadcast_in_dim3A_356 : f32 to vector<16xf32>
    %mul3A_358 = arith.constant 16 : i32
    %mul3A_359 = arith.muli %scan3A_355, %mul3A_358 : i32
    %swap3A_360 = arith.index_cast %mul3A_359 : i32 to index
    %swap3A_361 = tpu.vector_load %arg5[%swap3A_360] {strides = array<i32>} : memref<128xf32, #tpu.memory_space<vmem>>, vector<16xf32>,
    %swap3A_362 = vector.shape_cast %swap3A_361 : vector<16xf32> to vector<16xf32>
    %swap3A_363 = vector.shape_cast %broadcast_in_dim3A_357 : vector<16xf32> to vector<16xf32>
    tpu.vector_store %arg5[%swap3A_360], %swap3A_363 {strides = array<i32>} : memref<128xf32, #tpu.memory_space<vmem>>, vector<16xf32>,
    %scan3A_364 = arith.constant 0 : i32
    %scan3A_365 = arith.constant 4 : i32
    %broadcast_in_dim3A_366 = arith.constant 1.000000e+00 : f32
    %broadcast_in_dim3A_367 = vector.broadcast %broadcast_in_dim3A_366 : f32 to vector<16xf32>
    %mul3A_368 = arith.constant 16 : i32
    %mul3A_369 = arith.muli %scan3A_365, %mul3A_368 : i32
    %swap3A_370 = arith.index_cast %mul3A_369 : i32 to index
    %swap3A_371 = tpu.vector_load %arg5[%swap3A_370] {strides = array<i32>} : memref<128xf32, #tpu.memory_space<vmem>>, vector<16xf32>,
    %swap3A_372 = vector.shape_cast %swap3A_371 : vector<16xf32> to vector<16xf32>
    %swap3A_373 = vector.shape_cast %broadcast_in_dim3A_367 : vector<16xf32> to vector<16xf32>
    tpu.vector_store %arg5[%swap3A_370], %swap3A_373 {strides = array<i32>} : memref<128xf32, #tpu.memory_space<vmem>>, vector<16xf32>,
    %scan3A_374 = arith.constant 0 : i32
    %scan3A_375 = arith.constant 5 : i32
    %broadcast_in_dim3A_376 = arith.constant 1.000000e+00 : f32
    %broadcast_in_dim3A_377 = vector.broadcast %broadcast_in_dim3A_376 : f32 to vector<16xf32>
    %mul3A_378 = arith.constant 16 : i32
    %mul3A_379 = arith.muli %scan3A_375, %mul3A_378 : i32
    %swap3A_380 = arith.index_cast %mul3A_379 : i32 to index
    %swap3A_381 = tpu.vector_load %arg5[%swap3A_380] {strides = array<i32>} : memref<128xf32, #tpu.memory_space<vmem>>, vector<16xf32>,
    %swap3A_382 = vector.shape_cast %swap3A_381 : vector<16xf32> to vector<16xf32>
    %swap3A_383 = vector.shape_cast %broadcast_in_dim3A_377 : vector<16xf32> to vector<16xf32>
    tpu.vector_store %arg5[%swap3A_380], %swap3A_383 {strides = array<i32>} : memref<128xf32, #tpu.memory_space<vmem>>, vector<16xf32>,
    %scan3A_384 = arith.constant 0 : i32
    %scan3A_385 = arith.constant 6 : i32
    %broadcast_in_dim3A_386 = arith.constant 1.000000e+00 : f32
    %broadcast_in_dim3A_387 = vector.broadcast %broadcast_in_dim3A_386 : f32 to vector<16xf32>
    %mul3A_388 = arith.constant 16 : i32
    %mul3A_389 = arith.muli %scan3A_385, %mul3A_388 : i32
    %swap3A_390 = arith.index_cast %mul3A_389 : i32 to index
    %swap3A_391 = tpu.vector_load %arg5[%swap3A_390] {strides = array<i32>} : memref<128xf32, #tpu.memory_space<vmem>>, vector<16xf32>,
    %swap3A_392 = vector.shape_cast %swap3A_391 : vector<16xf32> to vector<16xf32>
    %swap3A_393 = vector.shape_cast %broadcast_in_dim3A_387 : vector<16xf32> to vector<16xf32>
    tpu.vector_store %arg5[%swap3A_390], %swap3A_393 {strides = array<i32>} : memref<128xf32, #tpu.memory_space<vmem>>, vector<16xf32>,
    %scan3A_394 = arith.constant 0 : i32
    %scan3A_395 = arith.constant 7 : i32
    %broadcast_in_dim3A_396 = arith.constant 1.000000e+00 : f32
    %broadcast_in_dim3A_397 = vector.broadcast %broadcast_in_dim3A_396 : f32 to vector<16xf32>
    %mul3A_398 = arith.constant 16 : i32
    %mul3A_399 = arith.muli %scan3A_395, %mul3A_398 : i32
    %swap3A_400 = arith.index_cast %mul3A_399 : i32 to index
    %swap3A_401 = tpu.vector_load %arg5[%swap3A_400] {strides = array<i32>} : memref<128xf32, #tpu.memory_space<vmem>>, vector<16xf32>,
    %swap3A_402 = vector.shape_cast %swap3A_401 : vector<16xf32> to vector<16xf32>
    %swap3A_403 = vector.shape_cast %broadcast_in_dim3A_397 : vector<16xf32> to vector<16xf32>
    tpu.vector_store %arg5[%swap3A_400], %swap3A_403 {strides = array<i32>} : memref<128xf32, #tpu.memory_space<vmem>>, vector<16xf32>,
    %scan3A_404 = arith.constant 0 : i32
    %scan3A_405 = arith.constant 8 : i32
    "tpu.region"() ({
      %run_scoped3A = tpu.sem_alloc : memref<!tpu.dma_semaphore, #tpu.memory_space<semaphore_mem>>
      %dma_start3A = tpu.memref_slice %arg2[%mul3A_2] : memref<4096xi32, #tpu.memory_space<hbm>> -> memref<128xi32, #tpu.memory_space<hbm>>
      %dma_start3A_409 = tpu.memref_slice %arg2[%mul3A_2] : memref<4096xi32, #tpu.memory_space<hbm>> -> memref<128xi32, #tpu.memory_space<hbm>>
      tpu.enqueue_dma source(%dma_start3A_409 : memref<128xi32, #tpu.memory_space<hbm>>) target(%arg4 : memref<128xi32, #tpu.memory_space<vmem>>) target_semaphore(%run_scoped3A : memref<!tpu.dma_semaphore, #tpu.memory_space<semaphore_mem>>)
      %dma_wait3A = tpu.memref_slice %arg2[%mul3A_2] : memref<4096xi32, #tpu.memory_space<hbm>> -> memref<128xi32, #tpu.memory_space<hbm>>
      %dma_wait3A_410 = tpu.memref_slice %arg2[%mul3A_2] : memref<4096xi32, #tpu.memory_space<hbm>> -> memref<128xi32, #tpu.memory_space<hbm>>
      tpu.wait_dma2 semaphore(%run_scoped3A : memref<!tpu.dma_semaphore, #tpu.memory_space<semaphore_mem>>) src(%dma_wait3A_410 : memref<128xi32, #tpu.memory_space<hbm>>) dst(%arg4 : memref<128xi32, #tpu.memory_space<vmem>>)
      tpu.yield
    }) : () -> ()
    %barrier3A = arith.constant 0 : index
    tpu.barrier barrier_id(%barrier3A)
    "tpu.region"() ({
      %run_scoped3A = tpu.sem_alloc : memref<!tpu.dma_semaphore, #tpu.memory_space<semaphore_mem>>
      %dma_start3A = arith.constant 0 : i32
      %dma_start3A_409 = tpu.memref_slice %arg7[%dma_start3A] : memref<8192xf32, #tpu.memory_space<vmem_shared>> -> memref<8192xf32, #tpu.memory_space<vmem_shared>>
      tpu.enqueue_indirect_dma source(%arg5 : memref<128xf32, #tpu.memory_space<vmem>>) target(%dma_start3A_409 : memref<8192xf32, #tpu.memory_space<vmem_shared>>) offsets(%arg4 : memref<128xi32, #tpu.memory_space<vmem>>) semaphore(%run_scoped3A : memref<!tpu.dma_semaphore, #tpu.memory_space<semaphore_mem>>) {add = true}
      %dma_wait3A = arith.constant 0 : i32
      %dma_wait3A_410 = tpu.memref_slice %arg7[%dma_wait3A] : memref<8192xf32, #tpu.memory_space<vmem_shared>> -> memref<8192xf32, #tpu.memory_space<vmem_shared>>
      tpu.wait_indirect_dma semaphore(%run_scoped3A : memref<!tpu.dma_semaphore, #tpu.memory_space<semaphore_mem>>) src(%arg5 : memref<128xf32, #tpu.memory_space<vmem>>) dst(%dma_wait3A_410 : memref<8192xf32, #tpu.memory_space<vmem_shared>>)
      tpu.yield
    }) : () -> ()
    %barrier3A_406 = arith.constant 0 : index
    tpu.barrier barrier_id(%barrier3A_406)
    %eq3A = arith.constant 0 : i32
    %eq3A_407 = arith.cmpi eq, %arg1, %eq3A : i32
    %convert_element_type3A = arith.extui %eq3A_407 : i1 to i32
    %cond3A = arith.constant 0 : i32
    %cond3A_408 = arith.cmpi ne, %convert_element_type3A, %cond3A : i32
    scf.if %cond3A_408 {
      "tpu.region"() ({
        %run_scoped3A = tpu.sem_alloc : memref<!tpu.dma_semaphore, #tpu.memory_space<semaphore_mem>>
        %dma_start3A = arith.constant 0 : i32
        %dma_start3A_409 = tpu.memref_slice %arg3[%arg0, %dma_start3A] : memref<2x8192xf32, #tpu.memory_space<hbm>> -> memref<1x8192xf32, #tpu.memory_space<hbm>>
        %dma_start3A_410 = tpu.memref_squeeze %dma_start3A_409 : memref<1x8192xf32, #tpu.memory_space<hbm>> -> memref<8192xf32, #tpu.memory_space<hbm>>
        tpu.enqueue_dma source(%arg7 : memref<8192xf32, #tpu.memory_space<vmem_shared>>) target(%dma_start3A_410 : memref<8192xf32, #tpu.memory_space<hbm>>) target_semaphore(%run_scoped3A : memref<!tpu.dma_semaphore, #tpu.memory_space<semaphore_mem>>)
        %dma_wait3A = arith.constant 0 : i32
        %dma_wait3A_411 = tpu.memref_slice %arg3[%arg0, %dma_wait3A] : memref<2x8192xf32, #tpu.memory_space<hbm>> -> memref<1x8192xf32, #tpu.memory_space<hbm>>
        %dma_wait3A_412 = tpu.memref_squeeze %dma_wait3A_411 : memref<1x8192xf32, #tpu.memory_space<hbm>> -> memref<8192xf32, #tpu.memory_space<hbm>>
        tpu.wait_dma2 semaphore(%run_scoped3A : memref<!tpu.dma_semaphore, #tpu.memory_space<semaphore_mem>>) src(%arg7 : memref<8192xf32, #tpu.memory_space<vmem_shared>>) dst(%dma_wait3A_412 : memref<8192xf32, #tpu.memory_space<hbm>>)
        tpu.yield
      }) : () -> ()
    } else {
    }
    return
  }
}

#map = affine_map<(d0, d1) -> (0)>
#map1 = affine_map<(d0, d1) -> (0, 0)>
module attributes {stable_mosaic.version = 14 : i64} {
  func.func @k(%arg0: i32, %arg1: i32, %arg2: memref<4096xi32, #tpu.memory_space<hbm>>, %arg3: memref<2x8192xf32, #tpu.memory_space<hbm>>, %arg4: memref<128xi32, #tpu.memory_space<vmem>>, %arg5: memref<128xf32, #tpu.memory_space<vmem>>, %arg6: memref<512xf32, #tpu.memory_space<vmem>>, %arg7: memref<8192xf32, #tpu.memory_space<vmem_shared>>) attributes {dimension_semantics = [#tpu.dimension_semantics<core_parallel>, #tpu.dimension_semantics<subcore_parallel>], iteration_bounds = array<i64: 2, 16>, scalar_prefetch = 0 : i64, scratch_operands = 4 : i64, tpu.core_type = #tpu.core_type<sc_vector_subcore>, window_params = [{transform_indices = #map}, {transform_indices = #map1}]} {
    %mul3A = arith.constant 2 : i32
    %mul3A_0 = arith.muli %arg1, %mul3A : i32
    %add3A = arith.addi %mul3A_0, %arg0 : i32
    %mul3A_1 = arith.constant 128 : i32
    %mul3A_2 = arith.muli %add3A, %mul3A_1 : i32
    %scan3A = arith.constant 0 : i32
    %scan3A_3 = arith.constant 0 : i32
    %broadcast_in_dim3A = arith.constant 0.000000e+00 : f32
    %broadcast_in_dim3A_4 = vector.broadcast %broadcast_in_dim3A : f32 to vector<16xf32>
    %mul3A_5 = arith.constant 16 : i32
    %mul3A_6 = arith.muli %scan3A_3, %mul3A_5 : i32
    %swap3A = arith.index_cast %mul3A_6 : i32 to index
    %swap3A_7 = tpu.vector_load %arg6[%swap3A] {strides = array<i32>} : memref<512xf32, #tpu.memory_space<vmem>>, vector<16xf32>,
    %swap3A_8 = vector.shape_cast %swap3A_7 : vector<16xf32> to vector<16xf32>
    %swap3A_9 = vector.shape_cast %broadcast_in_dim3A_4 : vector<16xf32> to vector<16xf32>
    tpu.vector_store %arg6[%swap3A], %swap3A_9 {strides = array<i32>} : memref<512xf32, #tpu.memory_space<vmem>>, vector<16xf32>,
    %scan3A_10 = arith.constant 0 : i32
    %scan3A_11 = arith.constant 1 : i32
    %broadcast_in_dim3A_12 = arith.constant 0.000000e+00 : f32
    %broadcast_in_dim3A_13 = vector.broadcast %broadcast_in_dim3A_12 : f32 to vector<16xf32>
    %mul3A_14 = arith.constant 16 : i32
    %mul3A_15 = arith.muli %scan3A_11, %mul3A_14 : i32
    %swap3A_16 = arith.index_cast %mul3A_15 : i32 to index
    %swap3A_17 = tpu.vector_load %arg6[%swap3A_16] {strides = array<i32>} : memref<512xf32, #tpu.memory_space<vmem>>, vector<16xf32>,
    %swap3A_18 = vector.shape_cast %swap3A_17 : vector<16xf32> to vector<16xf32>
    %swap3A_19 = vector.shape_cast %broadcast_in_dim3A_13 : vector<16xf32> to vector<16xf32>
    tpu.vector_store %arg6[%swap3A_16], %swap3A_19 {strides = array<i32>} : memref<512xf32, #tpu.memory_space<vmem>>, vector<16xf32>,
    %scan3A_20 = arith.constant 0 : i32
    %scan3A_21 = arith.constant 2 : i32
    %broadcast_in_dim3A_22 = arith.constant 0.000000e+00 : f32
    %broadcast_in_dim3A_23 = vector.broadcast %broadcast_in_dim3A_22 : f32 to vector<16xf32>
    %mul3A_24 = arith.constant 16 : i32
    %mul3A_25 = arith.muli %scan3A_21, %mul3A_24 : i32
    %swap3A_26 = arith.index_cast %mul3A_25 : i32 to index
    %swap3A_27 = tpu.vector_load %arg6[%swap3A_26] {strides = array<i32>} : memref<512xf32, #tpu.memory_space<vmem>>, vector<16xf32>,
    %swap3A_28 = vector.shape_cast %swap3A_27 : vector<16xf32> to vector<16xf32>
    %swap3A_29 = vector.shape_cast %broadcast_in_dim3A_23 : vector<16xf32> to vector<16xf32>
    tpu.vector_store %arg6[%swap3A_26], %swap3A_29 {strides = array<i32>} : memref<512xf32, #tpu.memory_space<vmem>>, vector<16xf32>,
    %scan3A_30 = arith.constant 0 : i32
    %scan3A_31 = arith.constant 3 : i32
    %broadcast_in_dim3A_32 = arith.constant 0.000000e+00 : f32
    %broadcast_in_dim3A_33 = vector.broadcast %broadcast_in_dim3A_32 : f32 to vector<16xf32>
    %mul3A_34 = arith.constant 16 : i32
    %mul3A_35 = arith.muli %scan3A_31, %mul3A_34 : i32
    %swap3A_36 = arith.index_cast %mul3A_35 : i32 to index
    %swap3A_37 = tpu.vector_load %arg6[%swap3A_36] {strides = array<i32>} : memref<512xf32, #tpu.memory_space<vmem>>, vector<16xf32>,
    %swap3A_38 = vector.shape_cast %swap3A_37 : vector<16xf32> to vector<16xf32>
    %swap3A_39 = vector.shape_cast %broadcast_in_dim3A_33 : vector<16xf32> to vector<16xf32>
    tpu.vector_store %arg6[%swap3A_36], %swap3A_39 {strides = array<i32>} : memref<512xf32, #tpu.memory_space<vmem>>, vector<16xf32>,
    %scan3A_40 = arith.constant 0 : i32
    %scan3A_41 = arith.constant 4 : i32
    %broadcast_in_dim3A_42 = arith.constant 0.000000e+00 : f32
    %broadcast_in_dim3A_43 = vector.broadcast %broadcast_in_dim3A_42 : f32 to vector<16xf32>
    %mul3A_44 = arith.constant 16 : i32
    %mul3A_45 = arith.muli %scan3A_41, %mul3A_44 : i32
    %swap3A_46 = arith.index_cast %mul3A_45 : i32 to index
    %swap3A_47 = tpu.vector_load %arg6[%swap3A_46] {strides = array<i32>} : memref<512xf32, #tpu.memory_space<vmem>>, vector<16xf32>,
    %swap3A_48 = vector.shape_cast %swap3A_47 : vector<16xf32> to vector<16xf32>
    %swap3A_49 = vector.shape_cast %broadcast_in_dim3A_43 : vector<16xf32> to vector<16xf32>
    tpu.vector_store %arg6[%swap3A_46], %swap3A_49 {strides = array<i32>} : memref<512xf32, #tpu.memory_space<vmem>>, vector<16xf32>,
    %scan3A_50 = arith.constant 0 : i32
    %scan3A_51 = arith.constant 5 : i32
    %broadcast_in_dim3A_52 = arith.constant 0.000000e+00 : f32
    %broadcast_in_dim3A_53 = vector.broadcast %broadcast_in_dim3A_52 : f32 to vector<16xf32>
    %mul3A_54 = arith.constant 16 : i32
    %mul3A_55 = arith.muli %scan3A_51, %mul3A_54 : i32
    %swap3A_56 = arith.index_cast %mul3A_55 : i32 to index
    %swap3A_57 = tpu.vector_load %arg6[%swap3A_56] {strides = array<i32>} : memref<512xf32, #tpu.memory_space<vmem>>, vector<16xf32>,
    %swap3A_58 = vector.shape_cast %swap3A_57 : vector<16xf32> to vector<16xf32>
    %swap3A_59 = vector.shape_cast %broadcast_in_dim3A_53 : vector<16xf32> to vector<16xf32>
    tpu.vector_store %arg6[%swap3A_56], %swap3A_59 {strides = array<i32>} : memref<512xf32, #tpu.memory_space<vmem>>, vector<16xf32>,
    %scan3A_60 = arith.constant 0 : i32
    %scan3A_61 = arith.constant 6 : i32
    %broadcast_in_dim3A_62 = arith.constant 0.000000e+00 : f32
    %broadcast_in_dim3A_63 = vector.broadcast %broadcast_in_dim3A_62 : f32 to vector<16xf32>
    %mul3A_64 = arith.constant 16 : i32
    %mul3A_65 = arith.muli %scan3A_61, %mul3A_64 : i32
    %swap3A_66 = arith.index_cast %mul3A_65 : i32 to index
    %swap3A_67 = tpu.vector_load %arg6[%swap3A_66] {strides = array<i32>} : memref<512xf32, #tpu.memory_space<vmem>>, vector<16xf32>,
    %swap3A_68 = vector.shape_cast %swap3A_67 : vector<16xf32> to vector<16xf32>
    %swap3A_69 = vector.shape_cast %broadcast_in_dim3A_63 : vector<16xf32> to vector<16xf32>
    tpu.vector_store %arg6[%swap3A_66], %swap3A_69 {strides = array<i32>} : memref<512xf32, #tpu.memory_space<vmem>>, vector<16xf32>,
    %scan3A_70 = arith.constant 0 : i32
    %scan3A_71 = arith.constant 7 : i32
    %broadcast_in_dim3A_72 = arith.constant 0.000000e+00 : f32
    %broadcast_in_dim3A_73 = vector.broadcast %broadcast_in_dim3A_72 : f32 to vector<16xf32>
    %mul3A_74 = arith.constant 16 : i32
    %mul3A_75 = arith.muli %scan3A_71, %mul3A_74 : i32
    %swap3A_76 = arith.index_cast %mul3A_75 : i32 to index
    %swap3A_77 = tpu.vector_load %arg6[%swap3A_76] {strides = array<i32>} : memref<512xf32, #tpu.memory_space<vmem>>, vector<16xf32>,
    %swap3A_78 = vector.shape_cast %swap3A_77 : vector<16xf32> to vector<16xf32>
    %swap3A_79 = vector.shape_cast %broadcast_in_dim3A_73 : vector<16xf32> to vector<16xf32>
    tpu.vector_store %arg6[%swap3A_76], %swap3A_79 {strides = array<i32>} : memref<512xf32, #tpu.memory_space<vmem>>, vector<16xf32>,
    %scan3A_80 = arith.constant 0 : i32
    %scan3A_81 = arith.constant 8 : i32
    %broadcast_in_dim3A_82 = arith.constant 0.000000e+00 : f32
    %broadcast_in_dim3A_83 = vector.broadcast %broadcast_in_dim3A_82 : f32 to vector<16xf32>
    %mul3A_84 = arith.constant 16 : i32
    %mul3A_85 = arith.muli %scan3A_81, %mul3A_84 : i32
    %swap3A_86 = arith.index_cast %mul3A_85 : i32 to index
    %swap3A_87 = tpu.vector_load %arg6[%swap3A_86] {strides = array<i32>} : memref<512xf32, #tpu.memory_space<vmem>>, vector<16xf32>,
    %swap3A_88 = vector.shape_cast %swap3A_87 : vector<16xf32> to vector<16xf32>
    %swap3A_89 = vector.shape_cast %broadcast_in_dim3A_83 : vector<16xf32> to vector<16xf32>
    tpu.vector_store %arg6[%swap3A_86], %swap3A_89 {strides = array<i32>} : memref<512xf32, #tpu.memory_space<vmem>>, vector<16xf32>,
    %scan3A_90 = arith.constant 0 : i32
    %scan3A_91 = arith.constant 9 : i32
    %broadcast_in_dim3A_92 = arith.constant 0.000000e+00 : f32
    %broadcast_in_dim3A_93 = vector.broadcast %broadcast_in_dim3A_92 : f32 to vector<16xf32>
    %mul3A_94 = arith.constant 16 : i32
    %mul3A_95 = arith.muli %scan3A_91, %mul3A_94 : i32
    %swap3A_96 = arith.index_cast %mul3A_95 : i32 to index
    %swap3A_97 = tpu.vector_load %arg6[%swap3A_96] {strides = array<i32>} : memref<512xf32, #tpu.memory_space<vmem>>, vector<16xf32>,
    %swap3A_98 = vector.shape_cast %swap3A_97 : vector<16xf32> to vector<16xf32>
    %swap3A_99 = vector.shape_cast %broadcast_in_dim3A_93 : vector<16xf32> to vector<16xf32>
    tpu.vector_store %arg6[%swap3A_96], %swap3A_99 {strides = array<i32>} : memref<512xf32, #tpu.memory_space<vmem>>, vector<16xf32>,
    %scan3A_100 = arith.constant 0 : i32
    %scan3A_101 = arith.constant 10 : i32
    %broadcast_in_dim3A_102 = arith.constant 0.000000e+00 : f32
    %broadcast_in_dim3A_103 = vector.broadcast %broadcast_in_dim3A_102 : f32 to vector<16xf32>
    %mul3A_104 = arith.constant 16 : i32
    %mul3A_105 = arith.muli %scan3A_101, %mul3A_104 : i32
    %swap3A_106 = arith.index_cast %mul3A_105 : i32 to index
    %swap3A_107 = tpu.vector_load %arg6[%swap3A_106] {strides = array<i32>} : memref<512xf32, #tpu.memory_space<vmem>>, vector<16xf32>,
    %swap3A_108 = vector.shape_cast %swap3A_107 : vector<16xf32> to vector<16xf32>
    %swap3A_109 = vector.shape_cast %broadcast_in_dim3A_103 : vector<16xf32> to vector<16xf32>
    tpu.vector_store %arg6[%swap3A_106], %swap3A_109 {strides = array<i32>} : memref<512xf32, #tpu.memory_space<vmem>>, vector<16xf32>,
    %scan3A_110 = arith.constant 0 : i32
    %scan3A_111 = arith.constant 11 : i32
    %broadcast_in_dim3A_112 = arith.constant 0.000000e+00 : f32
    %broadcast_in_dim3A_113 = vector.broadcast %broadcast_in_dim3A_112 : f32 to vector<16xf32>
    %mul3A_114 = arith.constant 16 : i32
    %mul3A_115 = arith.muli %scan3A_111, %mul3A_114 : i32
    %swap3A_116 = arith.index_cast %mul3A_115 : i32 to index
    %swap3A_117 = tpu.vector_load %arg6[%swap3A_116] {strides = array<i32>} : memref<512xf32, #tpu.memory_space<vmem>>, vector<16xf32>,
    %swap3A_118 = vector.shape_cast %swap3A_117 : vector<16xf32> to vector<16xf32>
    %swap3A_119 = vector.shape_cast %broadcast_in_dim3A_113 : vector<16xf32> to vector<16xf32>
    tpu.vector_store %arg6[%swap3A_116], %swap3A_119 {strides = array<i32>} : memref<512xf32, #tpu.memory_space<vmem>>, vector<16xf32>,
    %scan3A_120 = arith.constant 0 : i32
    %scan3A_121 = arith.constant 12 : i32
    %broadcast_in_dim3A_122 = arith.constant 0.000000e+00 : f32
    %broadcast_in_dim3A_123 = vector.broadcast %broadcast_in_dim3A_122 : f32 to vector<16xf32>
    %mul3A_124 = arith.constant 16 : i32
    %mul3A_125 = arith.muli %scan3A_121, %mul3A_124 : i32
    %swap3A_126 = arith.index_cast %mul3A_125 : i32 to index
    %swap3A_127 = tpu.vector_load %arg6[%swap3A_126] {strides = array<i32>} : memref<512xf32, #tpu.memory_space<vmem>>, vector<16xf32>,
    %swap3A_128 = vector.shape_cast %swap3A_127 : vector<16xf32> to vector<16xf32>
    %swap3A_129 = vector.shape_cast %broadcast_in_dim3A_123 : vector<16xf32> to vector<16xf32>
    tpu.vector_store %arg6[%swap3A_126], %swap3A_129 {strides = array<i32>} : memref<512xf32, #tpu.memory_space<vmem>>, vector<16xf32>,
    %scan3A_130 = arith.constant 0 : i32
    %scan3A_131 = arith.constant 13 : i32
    %broadcast_in_dim3A_132 = arith.constant 0.000000e+00 : f32
    %broadcast_in_dim3A_133 = vector.broadcast %broadcast_in_dim3A_132 : f32 to vector<16xf32>
    %mul3A_134 = arith.constant 16 : i32
    %mul3A_135 = arith.muli %scan3A_131, %mul3A_134 : i32
    %swap3A_136 = arith.index_cast %mul3A_135 : i32 to index
    %swap3A_137 = tpu.vector_load %arg6[%swap3A_136] {strides = array<i32>} : memref<512xf32, #tpu.memory_space<vmem>>, vector<16xf32>,
    %swap3A_138 = vector.shape_cast %swap3A_137 : vector<16xf32> to vector<16xf32>
    %swap3A_139 = vector.shape_cast %broadcast_in_dim3A_133 : vector<16xf32> to vector<16xf32>
    tpu.vector_store %arg6[%swap3A_136], %swap3A_139 {strides = array<i32>} : memref<512xf32, #tpu.memory_space<vmem>>, vector<16xf32>,
    %scan3A_140 = arith.constant 0 : i32
    %scan3A_141 = arith.constant 14 : i32
    %broadcast_in_dim3A_142 = arith.constant 0.000000e+00 : f32
    %broadcast_in_dim3A_143 = vector.broadcast %broadcast_in_dim3A_142 : f32 to vector<16xf32>
    %mul3A_144 = arith.constant 16 : i32
    %mul3A_145 = arith.muli %scan3A_141, %mul3A_144 : i32
    %swap3A_146 = arith.index_cast %mul3A_145 : i32 to index
    %swap3A_147 = tpu.vector_load %arg6[%swap3A_146] {strides = array<i32>} : memref<512xf32, #tpu.memory_space<vmem>>, vector<16xf32>,
    %swap3A_148 = vector.shape_cast %swap3A_147 : vector<16xf32> to vector<16xf32>
    %swap3A_149 = vector.shape_cast %broadcast_in_dim3A_143 : vector<16xf32> to vector<16xf32>
    tpu.vector_store %arg6[%swap3A_146], %swap3A_149 {strides = array<i32>} : memref<512xf32, #tpu.memory_space<vmem>>, vector<16xf32>,
    %scan3A_150 = arith.constant 0 : i32
    %scan3A_151 = arith.constant 15 : i32
    %broadcast_in_dim3A_152 = arith.constant 0.000000e+00 : f32
    %broadcast_in_dim3A_153 = vector.broadcast %broadcast_in_dim3A_152 : f32 to vector<16xf32>
    %mul3A_154 = arith.constant 16 : i32
    %mul3A_155 = arith.muli %scan3A_151, %mul3A_154 : i32
    %swap3A_156 = arith.index_cast %mul3A_155 : i32 to index
    %swap3A_157 = tpu.vector_load %arg6[%swap3A_156] {strides = array<i32>} : memref<512xf32, #tpu.memory_space<vmem>>, vector<16xf32>,
    %swap3A_158 = vector.shape_cast %swap3A_157 : vector<16xf32> to vector<16xf32>
    %swap3A_159 = vector.shape_cast %broadcast_in_dim3A_153 : vector<16xf32> to vector<16xf32>
    tpu.vector_store %arg6[%swap3A_156], %swap3A_159 {strides = array<i32>} : memref<512xf32, #tpu.memory_space<vmem>>, vector<16xf32>,
    %scan3A_160 = arith.constant 0 : i32
    %scan3A_161 = arith.constant 16 : i32
    %broadcast_in_dim3A_162 = arith.constant 0.000000e+00 : f32
    %broadcast_in_dim3A_163 = vector.broadcast %broadcast_in_dim3A_162 : f32 to vector<16xf32>
    %mul3A_164 = arith.constant 16 : i32
    %mul3A_165 = arith.muli %scan3A_161, %mul3A_164 : i32
    %swap3A_166 = arith.index_cast %mul3A_165 : i32 to index
    %swap3A_167 = tpu.vector_load %arg6[%swap3A_166] {strides = array<i32>} : memref<512xf32, #tpu.memory_space<vmem>>, vector<16xf32>,
    %swap3A_168 = vector.shape_cast %swap3A_167 : vector<16xf32> to vector<16xf32>
    %swap3A_169 = vector.shape_cast %broadcast_in_dim3A_163 : vector<16xf32> to vector<16xf32>
    tpu.vector_store %arg6[%swap3A_166], %swap3A_169 {strides = array<i32>} : memref<512xf32, #tpu.memory_space<vmem>>, vector<16xf32>,
    %scan3A_170 = arith.constant 0 : i32
    %scan3A_171 = arith.constant 17 : i32
    %broadcast_in_dim3A_172 = arith.constant 0.000000e+00 : f32
    %broadcast_in_dim3A_173 = vector.broadcast %broadcast_in_dim3A_172 : f32 to vector<16xf32>
    %mul3A_174 = arith.constant 16 : i32
    %mul3A_175 = arith.muli %scan3A_171, %mul3A_174 : i32
    %swap3A_176 = arith.index_cast %mul3A_175 : i32 to index
    %swap3A_177 = tpu.vector_load %arg6[%swap3A_176] {strides = array<i32>} : memref<512xf32, #tpu.memory_space<vmem>>, vector<16xf32>,
    %swap3A_178 = vector.shape_cast %swap3A_177 : vector<16xf32> to vector<16xf32>
    %swap3A_179 = vector.shape_cast %broadcast_in_dim3A_173 : vector<16xf32> to vector<16xf32>
    tpu.vector_store %arg6[%swap3A_176], %swap3A_179 {strides = array<i32>} : memref<512xf32, #tpu.memory_space<vmem>>, vector<16xf32>,
    %scan3A_180 = arith.constant 0 : i32
    %scan3A_181 = arith.constant 18 : i32
    %broadcast_in_dim3A_182 = arith.constant 0.000000e+00 : f32
    %broadcast_in_dim3A_183 = vector.broadcast %broadcast_in_dim3A_182 : f32 to vector<16xf32>
    %mul3A_184 = arith.constant 16 : i32
    %mul3A_185 = arith.muli %scan3A_181, %mul3A_184 : i32
    %swap3A_186 = arith.index_cast %mul3A_185 : i32 to index
    %swap3A_187 = tpu.vector_load %arg6[%swap3A_186] {strides = array<i32>} : memref<512xf32, #tpu.memory_space<vmem>>, vector<16xf32>,
    %swap3A_188 = vector.shape_cast %swap3A_187 : vector<16xf32> to vector<16xf32>
    %swap3A_189 = vector.shape_cast %broadcast_in_dim3A_183 : vector<16xf32> to vector<16xf32>
    tpu.vector_store %arg6[%swap3A_186], %swap3A_189 {strides = array<i32>} : memref<512xf32, #tpu.memory_space<vmem>>, vector<16xf32>,
    %scan3A_190 = arith.constant 0 : i32
    %scan3A_191 = arith.constant 19 : i32
    %broadcast_in_dim3A_192 = arith.constant 0.000000e+00 : f32
    %broadcast_in_dim3A_193 = vector.broadcast %broadcast_in_dim3A_192 : f32 to vector<16xf32>
    %mul3A_194 = arith.constant 16 : i32
    %mul3A_195 = arith.muli %scan3A_191, %mul3A_194 : i32
    %swap3A_196 = arith.index_cast %mul3A_195 : i32 to index
    %swap3A_197 = tpu.vector_load %arg6[%swap3A_196] {strides = array<i32>} : memref<512xf32, #tpu.memory_space<vmem>>, vector<16xf32>,
    %swap3A_198 = vector.shape_cast %swap3A_197 : vector<16xf32> to vector<16xf32>
    %swap3A_199 = vector.shape_cast %broadcast_in_dim3A_193 : vector<16xf32> to vector<16xf32>
    tpu.vector_store %arg6[%swap3A_196], %swap3A_199 {strides = array<i32>} : memref<512xf32, #tpu.memory_space<vmem>>, vector<16xf32>,
    %scan3A_200 = arith.constant 0 : i32
    %scan3A_201 = arith.constant 20 : i32
    %broadcast_in_dim3A_202 = arith.constant 0.000000e+00 : f32
    %broadcast_in_dim3A_203 = vector.broadcast %broadcast_in_dim3A_202 : f32 to vector<16xf32>
    %mul3A_204 = arith.constant 16 : i32
    %mul3A_205 = arith.muli %scan3A_201, %mul3A_204 : i32
    %swap3A_206 = arith.index_cast %mul3A_205 : i32 to index
    %swap3A_207 = tpu.vector_load %arg6[%swap3A_206] {strides = array<i32>} : memref<512xf32, #tpu.memory_space<vmem>>, vector<16xf32>,
    %swap3A_208 = vector.shape_cast %swap3A_207 : vector<16xf32> to vector<16xf32>
    %swap3A_209 = vector.shape_cast %broadcast_in_dim3A_203 : vector<16xf32> to vector<16xf32>
    tpu.vector_store %arg6[%swap3A_206], %swap3A_209 {strides = array<i32>} : memref<512xf32, #tpu.memory_space<vmem>>, vector<16xf32>,
    %scan3A_210 = arith.constant 0 : i32
    %scan3A_211 = arith.constant 21 : i32
    %broadcast_in_dim3A_212 = arith.constant 0.000000e+00 : f32
    %broadcast_in_dim3A_213 = vector.broadcast %broadcast_in_dim3A_212 : f32 to vector<16xf32>
    %mul3A_214 = arith.constant 16 : i32
    %mul3A_215 = arith.muli %scan3A_211, %mul3A_214 : i32
    %swap3A_216 = arith.index_cast %mul3A_215 : i32 to index
    %swap3A_217 = tpu.vector_load %arg6[%swap3A_216] {strides = array<i32>} : memref<512xf32, #tpu.memory_space<vmem>>, vector<16xf32>,
    %swap3A_218 = vector.shape_cast %swap3A_217 : vector<16xf32> to vector<16xf32>
    %swap3A_219 = vector.shape_cast %broadcast_in_dim3A_213 : vector<16xf32> to vector<16xf32>
    tpu.vector_store %arg6[%swap3A_216], %swap3A_219 {strides = array<i32>} : memref<512xf32, #tpu.memory_space<vmem>>, vector<16xf32>,
    %scan3A_220 = arith.constant 0 : i32
    %scan3A_221 = arith.constant 22 : i32
    %broadcast_in_dim3A_222 = arith.constant 0.000000e+00 : f32
    %broadcast_in_dim3A_223 = vector.broadcast %broadcast_in_dim3A_222 : f32 to vector<16xf32>
    %mul3A_224 = arith.constant 16 : i32
    %mul3A_225 = arith.muli %scan3A_221, %mul3A_224 : i32
    %swap3A_226 = arith.index_cast %mul3A_225 : i32 to index
    %swap3A_227 = tpu.vector_load %arg6[%swap3A_226] {strides = array<i32>} : memref<512xf32, #tpu.memory_space<vmem>>, vector<16xf32>,
    %swap3A_228 = vector.shape_cast %swap3A_227 : vector<16xf32> to vector<16xf32>
    %swap3A_229 = vector.shape_cast %broadcast_in_dim3A_223 : vector<16xf32> to vector<16xf32>
    tpu.vector_store %arg6[%swap3A_226], %swap3A_229 {strides = array<i32>} : memref<512xf32, #tpu.memory_space<vmem>>, vector<16xf32>,
    %scan3A_230 = arith.constant 0 : i32
    %scan3A_231 = arith.constant 23 : i32
    %broadcast_in_dim3A_232 = arith.constant 0.000000e+00 : f32
    %broadcast_in_dim3A_233 = vector.broadcast %broadcast_in_dim3A_232 : f32 to vector<16xf32>
    %mul3A_234 = arith.constant 16 : i32
    %mul3A_235 = arith.muli %scan3A_231, %mul3A_234 : i32
    %swap3A_236 = arith.index_cast %mul3A_235 : i32 to index
    %swap3A_237 = tpu.vector_load %arg6[%swap3A_236] {strides = array<i32>} : memref<512xf32, #tpu.memory_space<vmem>>, vector<16xf32>,
    %swap3A_238 = vector.shape_cast %swap3A_237 : vector<16xf32> to vector<16xf32>
    %swap3A_239 = vector.shape_cast %broadcast_in_dim3A_233 : vector<16xf32> to vector<16xf32>
    tpu.vector_store %arg6[%swap3A_236], %swap3A_239 {strides = array<i32>} : memref<512xf32, #tpu.memory_space<vmem>>, vector<16xf32>,
    %scan3A_240 = arith.constant 0 : i32
    %scan3A_241 = arith.constant 24 : i32
    %broadcast_in_dim3A_242 = arith.constant 0.000000e+00 : f32
    %broadcast_in_dim3A_243 = vector.broadcast %broadcast_in_dim3A_242 : f32 to vector<16xf32>
    %mul3A_244 = arith.constant 16 : i32
    %mul3A_245 = arith.muli %scan3A_241, %mul3A_244 : i32
    %swap3A_246 = arith.index_cast %mul3A_245 : i32 to index
    %swap3A_247 = tpu.vector_load %arg6[%swap3A_246] {strides = array<i32>} : memref<512xf32, #tpu.memory_space<vmem>>, vector<16xf32>,
    %swap3A_248 = vector.shape_cast %swap3A_247 : vector<16xf32> to vector<16xf32>
    %swap3A_249 = vector.shape_cast %broadcast_in_dim3A_243 : vector<16xf32> to vector<16xf32>
    tpu.vector_store %arg6[%swap3A_246], %swap3A_249 {strides = array<i32>} : memref<512xf32, #tpu.memory_space<vmem>>, vector<16xf32>,
    %scan3A_250 = arith.constant 0 : i32
    %scan3A_251 = arith.constant 25 : i32
    %broadcast_in_dim3A_252 = arith.constant 0.000000e+00 : f32
    %broadcast_in_dim3A_253 = vector.broadcast %broadcast_in_dim3A_252 : f32 to vector<16xf32>
    %mul3A_254 = arith.constant 16 : i32
    %mul3A_255 = arith.muli %scan3A_251, %mul3A_254 : i32
    %swap3A_256 = arith.index_cast %mul3A_255 : i32 to index
    %swap3A_257 = tpu.vector_load %arg6[%swap3A_256] {strides = array<i32>} : memref<512xf32, #tpu.memory_space<vmem>>, vector<16xf32>,
    %swap3A_258 = vector.shape_cast %swap3A_257 : vector<16xf32> to vector<16xf32>
    %swap3A_259 = vector.shape_cast %broadcast_in_dim3A_253 : vector<16xf32> to vector<16xf32>
    tpu.vector_store %arg6[%swap3A_256], %swap3A_259 {strides = array<i32>} : memref<512xf32, #tpu.memory_space<vmem>>, vector<16xf32>,
    %scan3A_260 = arith.constant 0 : i32
    %scan3A_261 = arith.constant 26 : i32
    %broadcast_in_dim3A_262 = arith.constant 0.000000e+00 : f32
    %broadcast_in_dim3A_263 = vector.broadcast %broadcast_in_dim3A_262 : f32 to vector<16xf32>
    %mul3A_264 = arith.constant 16 : i32
    %mul3A_265 = arith.muli %scan3A_261, %mul3A_264 : i32
    %swap3A_266 = arith.index_cast %mul3A_265 : i32 to index
    %swap3A_267 = tpu.vector_load %arg6[%swap3A_266] {strides = array<i32>} : memref<512xf32, #tpu.memory_space<vmem>>, vector<16xf32>,
    %swap3A_268 = vector.shape_cast %swap3A_267 : vector<16xf32> to vector<16xf32>
    %swap3A_269 = vector.shape_cast %broadcast_in_dim3A_263 : vector<16xf32> to vector<16xf32>
    tpu.vector_store %arg6[%swap3A_266], %swap3A_269 {strides = array<i32>} : memref<512xf32, #tpu.memory_space<vmem>>, vector<16xf32>,
    %scan3A_270 = arith.constant 0 : i32
    %scan3A_271 = arith.constant 27 : i32
    %broadcast_in_dim3A_272 = arith.constant 0.000000e+00 : f32
    %broadcast_in_dim3A_273 = vector.broadcast %broadcast_in_dim3A_272 : f32 to vector<16xf32>
    %mul3A_274 = arith.constant 16 : i32
    %mul3A_275 = arith.muli %scan3A_271, %mul3A_274 : i32
    %swap3A_276 = arith.index_cast %mul3A_275 : i32 to index
    %swap3A_277 = tpu.vector_load %arg6[%swap3A_276] {strides = array<i32>} : memref<512xf32, #tpu.memory_space<vmem>>, vector<16xf32>,
    %swap3A_278 = vector.shape_cast %swap3A_277 : vector<16xf32> to vector<16xf32>
    %swap3A_279 = vector.shape_cast %broadcast_in_dim3A_273 : vector<16xf32> to vector<16xf32>
    tpu.vector_store %arg6[%swap3A_276], %swap3A_279 {strides = array<i32>} : memref<512xf32, #tpu.memory_space<vmem>>, vector<16xf32>,
    %scan3A_280 = arith.constant 0 : i32
    %scan3A_281 = arith.constant 28 : i32
    %broadcast_in_dim3A_282 = arith.constant 0.000000e+00 : f32
    %broadcast_in_dim3A_283 = vector.broadcast %broadcast_in_dim3A_282 : f32 to vector<16xf32>
    %mul3A_284 = arith.constant 16 : i32
    %mul3A_285 = arith.muli %scan3A_281, %mul3A_284 : i32
    %swap3A_286 = arith.index_cast %mul3A_285 : i32 to index
    %swap3A_287 = tpu.vector_load %arg6[%swap3A_286] {strides = array<i32>} : memref<512xf32, #tpu.memory_space<vmem>>, vector<16xf32>,
    %swap3A_288 = vector.shape_cast %swap3A_287 : vector<16xf32> to vector<16xf32>
    %swap3A_289 = vector.shape_cast %broadcast_in_dim3A_283 : vector<16xf32> to vector<16xf32>
    tpu.vector_store %arg6[%swap3A_286], %swap3A_289 {strides = array<i32>} : memref<512xf32, #tpu.memory_space<vmem>>, vector<16xf32>,
    %scan3A_290 = arith.constant 0 : i32
    %scan3A_291 = arith.constant 29 : i32
    %broadcast_in_dim3A_292 = arith.constant 0.000000e+00 : f32
    %broadcast_in_dim3A_293 = vector.broadcast %broadcast_in_dim3A_292 : f32 to vector<16xf32>
    %mul3A_294 = arith.constant 16 : i32
    %mul3A_295 = arith.muli %scan3A_291, %mul3A_294 : i32
    %swap3A_296 = arith.index_cast %mul3A_295 : i32 to index
    %swap3A_297 = tpu.vector_load %arg6[%swap3A_296] {strides = array<i32>} : memref<512xf32, #tpu.memory_space<vmem>>, vector<16xf32>,
    %swap3A_298 = vector.shape_cast %swap3A_297 : vector<16xf32> to vector<16xf32>
    %swap3A_299 = vector.shape_cast %broadcast_in_dim3A_293 : vector<16xf32> to vector<16xf32>
    tpu.vector_store %arg6[%swap3A_296], %swap3A_299 {strides = array<i32>} : memref<512xf32, #tpu.memory_space<vmem>>, vector<16xf32>,
    %scan3A_300 = arith.constant 0 : i32
    %scan3A_301 = arith.constant 30 : i32
    %broadcast_in_dim3A_302 = arith.constant 0.000000e+00 : f32
    %broadcast_in_dim3A_303 = vector.broadcast %broadcast_in_dim3A_302 : f32 to vector<16xf32>
    %mul3A_304 = arith.constant 16 : i32
    %mul3A_305 = arith.muli %scan3A_301, %mul3A_304 : i32
    %swap3A_306 = arith.index_cast %mul3A_305 : i32 to index
    %swap3A_307 = tpu.vector_load %arg6[%swap3A_306] {strides = array<i32>} : memref<512xf32, #tpu.memory_space<vmem>>, vector<16xf32>,
    %swap3A_308 = vector.shape_cast %swap3A_307 : vector<16xf32> to vector<16xf32>
    %swap3A_309 = vector.shape_cast %broadcast_in_dim3A_303 : vector<16xf32> to vector<16xf32>
    tpu.vector_store %arg6[%swap3A_306], %swap3A_309 {strides = array<i32>} : memref<512xf32, #tpu.memory_space<vmem>>, vector<16xf32>,
    %scan3A_310 = arith.constant 0 : i32
    %scan3A_311 = arith.constant 31 : i32
    %broadcast_in_dim3A_312 = arith.constant 0.000000e+00 : f32
    %broadcast_in_dim3A_313 = vector.broadcast %broadcast_in_dim3A_312 : f32 to vector<16xf32>
    %mul3A_314 = arith.constant 16 : i32
    %mul3A_315 = arith.muli %scan3A_311, %mul3A_314 : i32
    %swap3A_316 = arith.index_cast %mul3A_315 : i32 to index
    %swap3A_317 = tpu.vector_load %arg6[%swap3A_316] {strides = array<i32>} : memref<512xf32, #tpu.memory_space<vmem>>, vector<16xf32>,
    %swap3A_318 = vector.shape_cast %swap3A_317 : vector<16xf32> to vector<16xf32>
    %swap3A_319 = vector.shape_cast %broadcast_in_dim3A_313 : vector<16xf32> to vector<16xf32>
    tpu.vector_store %arg6[%swap3A_316], %swap3A_319 {strides = array<i32>} : memref<512xf32, #tpu.memory_space<vmem>>, vector<16xf32>,
    %scan3A_320 = arith.constant 0 : i32
    %scan3A_321 = arith.constant 32 : i32
    %mul3A_322 = arith.constant 512 : i32
    %mul3A_323 = arith.muli %arg1, %mul3A_322 : i32
    "tpu.region"() ({
      %run_scoped3A = tpu.sem_alloc : memref<!tpu.dma_semaphore, #tpu.memory_space<semaphore_mem>>
      %dma_start3A = tpu.memref_slice %arg7[%mul3A_323] : memref<8192xf32, #tpu.memory_space<vmem_shared>> -> memref<512xf32, #tpu.memory_space<vmem_shared>>
      %dma_start3A_409 = tpu.memref_slice %arg7[%mul3A_323] : memref<8192xf32, #tpu.memory_space<vmem_shared>> -> memref<512xf32, #tpu.memory_space<vmem_shared>>
      tpu.enqueue_dma source(%arg6 : memref<512xf32, #tpu.memory_space<vmem>>) target(%dma_start3A_409 : memref<512xf32, #tpu.memory_space<vmem_shared>>) target_semaphore(%run_scoped3A : memref<!tpu.dma_semaphore, #tpu.memory_space<semaphore_mem>>)
      %dma_wait3A = tpu.memref_slice %arg7[%mul3A_323] : memref<8192xf32, #tpu.memory_space<vmem_shared>> -> memref<512xf32, #tpu.memory_space<vmem_shared>>
      %dma_wait3A_410 = tpu.memref_slice %arg7[%mul3A_323] : memref<8192xf32, #tpu.memory_space<vmem_shared>> -> memref<512xf32, #tpu.memory_space<vmem_shared>>
      tpu.wait_dma2 semaphore(%run_scoped3A : memref<!tpu.dma_semaphore, #tpu.memory_space<semaphore_mem>>) src(%arg6 : memref<512xf32, #tpu.memory_space<vmem>>) dst(%dma_wait3A_410 : memref<512xf32, #tpu.memory_space<vmem_shared>>)
      tpu.yield
    }) : () -> ()
    %scan3A_324 = arith.constant 0 : i32
    %scan3A_325 = arith.constant 0 : i32
    %broadcast_in_dim3A_326 = arith.constant 1.000000e+00 : f32
    %broadcast_in_dim3A_327 = vector.broadcast %broadcast_in_dim3A_326 : f32 to vector<16xf32>
    %mul3A_328 = arith.constant 16 : i32
    %mul3A_329 = arith.muli %scan3A_325, %mul3A_328 : i32
    %swap3A_330 = arith.index_cast %mul3A_329 : i32 to index
    %swap3A_331 = tpu.vector_load %arg5[%swap3A_330] {strides = array<i32>} : memref<128xf32, #tpu.memory_space<vmem>>, vector<16xf32>,
    %swap3A_332 = vector.shape_cast %swap3A_331 : vector<16xf32> to vector<16xf32>
    %swap3A_333 = vector.shape_cast %broadcast_in_dim3A_327 : vector<16xf32> to vector<16xf32>
    tpu.vector_store %arg5[%swap3A_330], %swap3A_333 {strides = array<i32>} : memref<128xf32, #tpu.memory_space<vmem>>, vector<16xf32>,
    %scan3A_334 = arith.constant 0 : i32
    %scan3A_335 = arith.constant 1 : i32
    %broadcast_in_dim3A_336 = arith.constant 1.000000e+00 : f32
    %broadcast_in_dim3A_337 = vector.broadcast %broadcast_in_dim3A_336 : f32 to vector<16xf32>
    %mul3A_338 = arith.constant 16 : i32
    %mul3A_339 = arith.muli %scan3A_335, %mul3A_338 : i32
    %swap3A_340 = arith.index_cast %mul3A_339 : i32 to index
    %swap3A_341 = tpu.vector_load %arg5[%swap3A_340] {strides = array<i32>} : memref<128xf32, #tpu.memory_space<vmem>>, vector<16xf32>,
    %swap3A_342 = vector.shape_cast %swap3A_341 : vector<16xf32> to vector<16xf32>
    %swap3A_343 = vector.shape_cast %broadcast_in_dim3A_337 : vector<16xf32> to vector<16xf32>
    tpu.vector_store %arg5[%swap3A_340], %swap3A_343 {strides = array<i32>} : memref<128xf32, #tpu.memory_space<vmem>>, vector<16xf32>,
    %scan3A_344 = arith.constant 0 : i32
    %scan3A_345 = arith.constant 2 : i32
    %broadcast_in_dim3A_346 = arith.constant 1.000000e+00 : f32
    %broadcast_in_dim3A_347 = vector.broadcast %broadcast_in_dim3A_346 : f32 to vector<16xf32>
    %mul3A_348 = arith.constant 16 : i32
    %mul3A_349 = arith.muli %scan3A_345, %mul3A_348 : i32
    %swap3A_350 = arith.index_cast %mul3A_349 : i32 to index
    %swap3A_351 = tpu.vector_load %arg5[%swap3A_350] {strides = array<i32>} : memref<128xf32, #tpu.memory_space<vmem>>, vector<16xf32>,
    %swap3A_352 = vector.shape_cast %swap3A_351 : vector<16xf32> to vector<16xf32>
    %swap3A_353 = vector.shape_cast %broadcast_in_dim3A_347 : vector<16xf32> to vector<16xf32>
    tpu.vector_store %arg5[%swap3A_350], %swap3A_353 {strides = array<i32>} : memref<128xf32, #tpu.memory_space<vmem>>, vector<16xf32>,
    %scan3A_354 = arith.constant 0 : i32
    %scan3A_355 = arith.constant 3 : i32
    %broadcast_in_dim3A_356 = arith.constant 1.000000e+00 : f32
    %broadcast_in_dim3A_357 = vector.broadcast %broadcast_in_dim3A_356 : f32 to vector<16xf32>
    %mul3A_358 = arith.constant 16 : i32
    %mul3A_359 = arith.muli %scan3A_355, %mul3A_358 : i32
    %swap3A_360 = arith.index_cast %mul3A_359 : i32 to index
    %swap3A_361 = tpu.vector_load %arg5[%swap3A_360] {strides = array<i32>} : memref<128xf32, #tpu.memory_space<vmem>>, vector<16xf32>,
    %swap3A_362 = vector.shape_cast %swap3A_361 : vector<16xf32> to vector<16xf32>
    %swap3A_363 = vector.shape_cast %broadcast_in_dim3A_357 : vector<16xf32> to vector<16xf32>
    tpu.vector_store %arg5[%swap3A_360], %swap3A_363 {strides = array<i32>} : memref<128xf32, #tpu.memory_space<vmem>>, vector<16xf32>,
    %scan3A_364 = arith.constant 0 : i32
    %scan3A_365 = arith.constant 4 : i32
    %broadcast_in_dim3A_366 = arith.constant 1.000000e+00 : f32
    %broadcast_in_dim3A_367 = vector.broadcast %broadcast_in_dim3A_366 : f32 to vector<16xf32>
    %mul3A_368 = arith.constant 16 : i32
    %mul3A_369 = arith.muli %scan3A_365, %mul3A_368 : i32
    %swap3A_370 = arith.index_cast %mul3A_369 : i32 to index
    %swap3A_371 = tpu.vector_load %arg5[%swap3A_370] {strides = array<i32>} : memref<128xf32, #tpu.memory_space<vmem>>, vector<16xf32>,
    %swap3A_372 = vector.shape_cast %swap3A_371 : vector<16xf32> to vector<16xf32>
    %swap3A_373 = vector.shape_cast %broadcast_in_dim3A_367 : vector<16xf32> to vector<16xf32>
    tpu.vector_store %arg5[%swap3A_370], %swap3A_373 {strides = array<i32>} : memref<128xf32, #tpu.memory_space<vmem>>, vector<16xf32>,
    %scan3A_374 = arith.constant 0 : i32
    %scan3A_375 = arith.constant 5 : i32
    %broadcast_in_dim3A_376 = arith.constant 1.000000e+00 : f32
    %broadcast_in_dim3A_377 = vector.broadcast %broadcast_in_dim3A_376 : f32 to vector<16xf32>
    %mul3A_378 = arith.constant 16 : i32
    %mul3A_379 = arith.muli %scan3A_375, %mul3A_378 : i32
    %swap3A_380 = arith.index_cast %mul3A_379 : i32 to index
    %swap3A_381 = tpu.vector_load %arg5[%swap3A_380] {strides = array<i32>} : memref<128xf32, #tpu.memory_space<vmem>>, vector<16xf32>,
    %swap3A_382 = vector.shape_cast %swap3A_381 : vector<16xf32> to vector<16xf32>
    %swap3A_383 = vector.shape_cast %broadcast_in_dim3A_377 : vector<16xf32> to vector<16xf32>
    tpu.vector_store %arg5[%swap3A_380], %swap3A_383 {strides = array<i32>} : memref<128xf32, #tpu.memory_space<vmem>>, vector<16xf32>,
    %scan3A_384 = arith.constant 0 : i32
    %scan3A_385 = arith.constant 6 : i32
    %broadcast_in_dim3A_386 = arith.constant 1.000000e+00 : f32
    %broadcast_in_dim3A_387 = vector.broadcast %broadcast_in_dim3A_386 : f32 to vector<16xf32>
    %mul3A_388 = arith.constant 16 : i32
    %mul3A_389 = arith.muli %scan3A_385, %mul3A_388 : i32
    %swap3A_390 = arith.index_cast %mul3A_389 : i32 to index
    %swap3A_391 = tpu.vector_load %arg5[%swap3A_390] {strides = array<i32>} : memref<128xf32, #tpu.memory_space<vmem>>, vector<16xf32>,
    %swap3A_392 = vector.shape_cast %swap3A_391 : vector<16xf32> to vector<16xf32>
    %swap3A_393 = vector.shape_cast %broadcast_in_dim3A_387 : vector<16xf32> to vector<16xf32>
    tpu.vector_store %arg5[%swap3A_390], %swap3A_393 {strides = array<i32>} : memref<128xf32, #tpu.memory_space<vmem>>, vector<16xf32>,
    %scan3A_394 = arith.constant 0 : i32
    %scan3A_395 = arith.constant 7 : i32
    %broadcast_in_dim3A_396 = arith.constant 1.000000e+00 : f32
    %broadcast_in_dim3A_397 = vector.broadcast %broadcast_in_dim3A_396 : f32 to vector<16xf32>
    %mul3A_398 = arith.constant 16 : i32
    %mul3A_399 = arith.muli %scan3A_395, %mul3A_398 : i32
    %swap3A_400 = arith.index_cast %mul3A_399 : i32 to index
    %swap3A_401 = tpu.vector_load %arg5[%swap3A_400] {strides = array<i32>} : memref<128xf32, #tpu.memory_space<vmem>>, vector<16xf32>,
    %swap3A_402 = vector.shape_cast %swap3A_401 : vector<16xf32> to vector<16xf32>
    %swap3A_403 = vector.shape_cast %broadcast_in_dim3A_397 : vector<16xf32> to vector<16xf32>
    tpu.vector_store %arg5[%swap3A_400], %swap3A_403 {strides = array<i32>} : memref<128xf32, #tpu.memory_space<vmem>>, vector<16xf32>,
    %scan3A_404 = arith.constant 0 : i32
    %scan3A_405 = arith.constant 8 : i32
    "tpu.region"() ({
      %run_scoped3A = tpu.sem_alloc : memref<!tpu.dma_semaphore, #tpu.memory_space<semaphore_mem>>
      %dma_start3A = tpu.memref_slice %arg2[%mul3A_2] : memref<4096xi32, #tpu.memory_space<hbm>> -> memref<128xi32, #tpu.memory_space<hbm>>
      %dma_start3A_409 = tpu.memref_slice %arg2[%mul3A_2] : memref<4096xi32, #tpu.memory_space<hbm>> -> memref<128xi32, #tpu.memory_space<hbm>>
      tpu.enqueue_dma source(%dma_start3A_409 : memref<128xi32, #tpu.memory_space<hbm>>) target(%arg4 : memref<128xi32, #tpu.memory_space<vmem>>) target_semaphore(%run_scoped3A : memref<!tpu.dma_semaphore, #tpu.memory_space<semaphore_mem>>)
      %dma_wait3A = tpu.memref_slice %arg2[%mul3A_2] : memref<4096xi32, #tpu.memory_space<hbm>> -> memref<128xi32, #tpu.memory_space<hbm>>
      %dma_wait3A_410 = tpu.memref_slice %arg2[%mul3A_2] : memref<4096xi32, #tpu.memory_space<hbm>> -> memref<128xi32, #tpu.memory_space<hbm>>
      tpu.wait_dma2 semaphore(%run_scoped3A : memref<!tpu.dma_semaphore, #tpu.memory_space<semaphore_mem>>) src(%dma_wait3A_410 : memref<128xi32, #tpu.memory_space<hbm>>) dst(%arg4 : memref<128xi32, #tpu.memory_space<vmem>>)
      tpu.yield
    }) : () -> ()
    %barrier3A = arith.constant 0 : index
    tpu.barrier barrier_id(%barrier3A)
    "tpu.region"() ({
      %run_scoped3A = tpu.sem_alloc : memref<!tpu.dma_semaphore, #tpu.memory_space<semaphore_mem>>
      %dma_start3A = arith.constant 0 : i32
      %dma_start3A_409 = tpu.memref_slice %arg7[%dma_start3A] : memref<8192xf32, #tpu.memory_space<vmem_shared>> -> memref<8192xf32, #tpu.memory_space<vmem_shared>>
      tpu.enqueue_indirect_dma source(%arg5 : memref<128xf32, #tpu.memory_space<vmem>>) target(%dma_start3A_409 : memref<8192xf32, #tpu.memory_space<vmem_shared>>) offsets(%arg4 : memref<128xi32, #tpu.memory_space<vmem>>) semaphore(%run_scoped3A : memref<!tpu.dma_semaphore, #tpu.memory_space<semaphore_mem>>) {add = true}
      %dma_wait3A = arith.constant 0 : i32
      %dma_wait3A_410 = tpu.memref_slice %arg7[%dma_wait3A] : memref<8192xf32, #tpu.memory_space<vmem_shared>> -> memref<8192xf32, #tpu.memory_space<vmem_shared>>
      tpu.wait_indirect_dma semaphore(%run_scoped3A : memref<!tpu.dma_semaphore, #tpu.memory_space<semaphore_mem>>) src(%arg5 : memref<128xf32, #tpu.memory_space<vmem>>) dst(%dma_wait3A_410 : memref<8192xf32, #tpu.memory_space<vmem_shared>>)
      tpu.yield
    }) : () -> ()
    %barrier3A_406 = arith.constant 0 : index
    tpu.barrier barrier_id(%barrier3A_406)
    %eq3A = arith.constant 0 : i32
    %eq3A_407 = arith.cmpi eq, %arg1, %eq3A : i32
    %convert_element_type3A = arith.extui %eq3A_407 : i1 to i32
    %cond3A = arith.constant 0 : i32
    %cond3A_408 = arith.cmpi ne, %convert_element_type3A, %cond3A : i32
    scf.if %cond3A_408 {
      "tpu.region"() ({
        %run_scoped3A = tpu.sem_alloc : memref<!tpu.dma_semaphore, #tpu.memory_space<semaphore_mem>>
        %dma_start3A = arith.constant 0 : i32
        %dma_start3A_409 = tpu.memref_slice %arg3[%arg0, %dma_start3A] : memref<2x8192xf32, #tpu.memory_space<hbm>> -> memref<1x8192xf32, #tpu.memory_space<hbm>>
        %dma_start3A_410 = tpu.memref_squeeze %dma_start3A_409 : memref<1x8192xf32, #tpu.memory_space<hbm>> -> memref<8192xf32, #tpu.memory_space<hbm>>
        tpu.enqueue_dma source(%arg7 : memref<8192xf32, #tpu.memory_space<vmem_shared>>) target(%dma_start3A_410 : memref<8192xf32, #tpu.memory_space<hbm>>) target_semaphore(%run_scoped3A : memref<!tpu.dma_semaphore, #tpu.memory_space<semaphore_mem>>)
        %dma_wait3A = arith.constant 0 : i32
        %dma_wait3A_411 = tpu.memref_slice %arg3[%arg0, %dma_wait3A] : memref<2x8192xf32, #tpu.memory_space<hbm>> -> memref<1x8192xf32, #tpu.memory_space<hbm>>
        %dma_wait3A_412 = tpu.memref_squeeze %dma_wait3A_411 : memref<1x8192xf32, #tpu.memory_space<hbm>> -> memref<8192xf32, #tpu.memory_space<hbm>>
        tpu.wait_dma2 semaphore(%run_scoped3A : memref<!tpu.dma_semaphore, #tpu.memory_space<semaphore_mem>>) src(%arg7 : memref<8192xf32, #tpu.memory_space<vmem_shared>>) dst(%dma_wait3A_412 : memref<8192xf32, #tpu.memory_space<hbm>>)
        tpu.yield
      }) : () -> ()
    } else {
    }
    return
  }
}

#map = affine_map<(d0, d1) -> (0, 0)>
#map1 = affine_map<(d0, d1) -> (0)>
module attributes {stable_mosaic.version = 14 : i64} {
  func.func @k(%arg0: i32, %arg1: i32, %arg2: memref<8192x64xf32, #tpu.memory_space<hbm>>, %arg3: memref<4096xi32, #tpu.memory_space<hbm>>, %arg4: memref<4096x64xf32, #tpu.memory_space<hbm>>, %arg5: memref<4096x64xf32, #tpu.memory_space<hbm>>, %arg6: memref<4096x64xf32, #tpu.memory_space<hbm>>, %arg7: memref<128xi32, #tpu.memory_space<vmem>>, %arg8: memref<128x64xf32, #tpu.memory_space<vmem>>, %arg9: memref<128x64xf32, #tpu.memory_space<vmem>>, %arg10: memref<!tpu.dma_semaphore, #tpu.memory_space<semaphore_mem>>) attributes {dimension_semantics = [#tpu.dimension_semantics<core_parallel>, #tpu.dimension_semantics<subcore_parallel>], iteration_bounds = array<i64: 2, 16>, scalar_prefetch = 0 : i64, scratch_operands = 4 : i64, tpu.core_type = #tpu.core_type<sc_vector_subcore>, window_params = [{transform_indices = #map}, {transform_indices = #map1}, {transform_indices = #map}, {transform_indices = #map}, {transform_indices = #map}]} {
    %mul3A = arith.constant 2 : i32
    %mul3A_0 = arith.muli %arg1, %mul3A : i32
    %add3A = arith.addi %mul3A_0, %arg0 : i32
    %mul3A_1 = arith.constant 128 : i32
    %mul3A_2 = arith.muli %add3A, %mul3A_1 : i32
    "tpu.region"() ({
      %run_scoped3A = tpu.sem_alloc : memref<!tpu.dma_semaphore, #tpu.memory_space<semaphore_mem>>
      %dma_start3A_13 = tpu.memref_slice %arg3[%mul3A_2] : memref<4096xi32, #tpu.memory_space<hbm>> -> memref<128xi32, #tpu.memory_space<hbm>>
      %dma_start3A_14 = tpu.memref_slice %arg3[%mul3A_2] : memref<4096xi32, #tpu.memory_space<hbm>> -> memref<128xi32, #tpu.memory_space<hbm>>
      tpu.enqueue_dma source(%dma_start3A_14 : memref<128xi32, #tpu.memory_space<hbm>>) target(%arg7 : memref<128xi32, #tpu.memory_space<vmem>>) target_semaphore(%run_scoped3A : memref<!tpu.dma_semaphore, #tpu.memory_space<semaphore_mem>>)
      %dma_wait3A_15 = tpu.memref_slice %arg3[%mul3A_2] : memref<4096xi32, #tpu.memory_space<hbm>> -> memref<128xi32, #tpu.memory_space<hbm>>
      %dma_wait3A_16 = tpu.memref_slice %arg3[%mul3A_2] : memref<4096xi32, #tpu.memory_space<hbm>> -> memref<128xi32, #tpu.memory_space<hbm>>
      tpu.wait_dma2 semaphore(%run_scoped3A : memref<!tpu.dma_semaphore, #tpu.memory_space<semaphore_mem>>) src(%dma_wait3A_16 : memref<128xi32, #tpu.memory_space<hbm>>) dst(%arg7 : memref<128xi32, #tpu.memory_space<vmem>>)
      tpu.yield
    }) : () -> ()
    %dma_start3A = arith.constant 0 : i32
    %dma_start3A_3 = arith.constant 0 : i32
    %dma_start3A_4 = tpu.memref_slice %arg2[%dma_start3A, %dma_start3A_3] : memref<8192x64xf32, #tpu.memory_space<hbm>> -> memref<8192x64xf32, #tpu.memory_space<hbm>>
    tpu.enqueue_indirect_dma source(%dma_start3A_4 : memref<8192x64xf32, #tpu.memory_space<hbm>>) target(%arg8 : memref<128x64xf32, #tpu.memory_space<vmem>>) offsets(%arg7 : memref<128xi32, #tpu.memory_space<vmem>>) semaphore(%arg10 : memref<!tpu.dma_semaphore, #tpu.memory_space<semaphore_mem>>)
    %dma_wait3A = arith.constant 0 : i32
    %dma_wait3A_5 = arith.constant 0 : i32
    %dma_wait3A_6 = tpu.memref_slice %arg2[%dma_wait3A, %dma_wait3A_5] : memref<8192x64xf32, #tpu.memory_space<hbm>> -> memref<8192x64xf32, #tpu.memory_space<hbm>>
    tpu.wait_indirect_dma semaphore(%arg10 : memref<!tpu.dma_semaphore, #tpu.memory_space<semaphore_mem>>) src(%dma_wait3A_6 : memref<8192x64xf32, #tpu.memory_space<hbm>>) dst(%arg8 : memref<128x64xf32, #tpu.memory_space<vmem>>)
    "tpu.region"() ({
      %run_scoped3A = tpu.sem_alloc : memref<!tpu.dma_semaphore, #tpu.memory_space<semaphore_mem>>
      %dma_start3A_13 = arith.constant 0 : i32
      %dma_start3A_14 = tpu.memref_slice %arg5[%mul3A_2, %dma_start3A_13] : memref<4096x64xf32, #tpu.memory_space<hbm>> -> memref<128x64xf32, #tpu.memory_space<hbm>>
      %dma_start3A_15 = arith.constant 0 : i32
      %dma_start3A_16 = tpu.memref_slice %arg5[%mul3A_2, %dma_start3A_15] : memref<4096x64xf32, #tpu.memory_space<hbm>> -> memref<128x64xf32, #tpu.memory_space<hbm>>
      tpu.enqueue_dma source(%arg8 : memref<128x64xf32, #tpu.memory_space<vmem>>) target(%dma_start3A_16 : memref<128x64xf32, #tpu.memory_space<hbm>>) target_semaphore(%run_scoped3A : memref<!tpu.dma_semaphore, #tpu.memory_space<semaphore_mem>>)
      %dma_wait3A_17 = arith.constant 0 : i32
      %dma_wait3A_18 = tpu.memref_slice %arg5[%mul3A_2, %dma_wait3A_17] : memref<4096x64xf32, #tpu.memory_space<hbm>> -> memref<128x64xf32, #tpu.memory_space<hbm>>
      %dma_wait3A_19 = arith.constant 0 : i32
      %dma_wait3A_20 = tpu.memref_slice %arg5[%mul3A_2, %dma_wait3A_19] : memref<4096x64xf32, #tpu.memory_space<hbm>> -> memref<128x64xf32, #tpu.memory_space<hbm>>
      tpu.wait_dma2 semaphore(%run_scoped3A : memref<!tpu.dma_semaphore, #tpu.memory_space<semaphore_mem>>) src(%arg8 : memref<128x64xf32, #tpu.memory_space<vmem>>) dst(%dma_wait3A_20 : memref<128x64xf32, #tpu.memory_space<hbm>>)
      tpu.yield
    }) : () -> ()
    "tpu.region"() ({
      %run_scoped3A = tpu.sem_alloc : memref<!tpu.dma_semaphore, #tpu.memory_space<semaphore_mem>>
      %dma_start3A_13 = arith.constant 0 : i32
      %dma_start3A_14 = tpu.memref_slice %arg4[%mul3A_2, %dma_start3A_13] : memref<4096x64xf32, #tpu.memory_space<hbm>> -> memref<128x64xf32, #tpu.memory_space<hbm>>
      %dma_start3A_15 = arith.constant 0 : i32
      %dma_start3A_16 = tpu.memref_slice %arg4[%mul3A_2, %dma_start3A_15] : memref<4096x64xf32, #tpu.memory_space<hbm>> -> memref<128x64xf32, #tpu.memory_space<hbm>>
      tpu.enqueue_dma source(%dma_start3A_16 : memref<128x64xf32, #tpu.memory_space<hbm>>) target(%arg9 : memref<128x64xf32, #tpu.memory_space<vmem>>) target_semaphore(%run_scoped3A : memref<!tpu.dma_semaphore, #tpu.memory_space<semaphore_mem>>)
      %dma_wait3A_17 = arith.constant 0 : i32
      %dma_wait3A_18 = tpu.memref_slice %arg4[%mul3A_2, %dma_wait3A_17] : memref<4096x64xf32, #tpu.memory_space<hbm>> -> memref<128x64xf32, #tpu.memory_space<hbm>>
      %dma_wait3A_19 = arith.constant 0 : i32
      %dma_wait3A_20 = tpu.memref_slice %arg4[%mul3A_2, %dma_wait3A_19] : memref<4096x64xf32, #tpu.memory_space<hbm>> -> memref<128x64xf32, #tpu.memory_space<hbm>>
      tpu.wait_dma2 semaphore(%run_scoped3A : memref<!tpu.dma_semaphore, #tpu.memory_space<semaphore_mem>>) src(%dma_wait3A_20 : memref<128x64xf32, #tpu.memory_space<hbm>>) dst(%arg9 : memref<128x64xf32, #tpu.memory_space<vmem>>)
      tpu.yield
    }) : () -> ()
    %scan3A = arith.constant 0 : i32
    %scan3A_7 = arith.constant 0 : i32
    %scan3A_8 = arith.constant 128 : i32
    %scan3A_9 = arith.addi %scan3A_7, %scan3A_8 : i32
    %scan3A_10 = arith.constant 1 : i32
    %scan3A_11 = scf.for %scan3A_13 = %scan3A_7 to %scan3A_9 step %scan3A_10 iter_args(%scan3A_14 = %scan3A) -> (i32)  : i32 {
      %get3A = arith.index_cast %scan3A_13 : i32 to index
      %get3A_15 = arith.constant 0 : index
      %get3A_16 = tpu.vector_load %arg9[%get3A, %get3A_15] {strides = array<i32>} : memref<128x64xf32, #tpu.memory_space<vmem>>, vector<1x16xf32>,
      %get3A_17 = vector.shape_cast %get3A_16 : vector<1x16xf32> to vector<16xf32>
      %get3A_18 = arith.index_cast %scan3A_13 : i32 to index
      %get3A_19 = arith.constant 0 : index
      %get3A_20 = tpu.vector_load %arg8[%get3A_18, %get3A_19] {strides = array<i32>} : memref<128x64xf32, #tpu.memory_space<vmem>>, vector<1x16xf32>,
      %get3A_21 = vector.shape_cast %get3A_20 : vector<1x16xf32> to vector<16xf32>
      %sub3A = arith.subf %get3A_17, %get3A_21 : vector<16xf32>
      %swap3A = arith.index_cast %scan3A_13 : i32 to index
      %swap3A_22 = arith.constant 0 : index
      %swap3A_23 = tpu.vector_load %arg8[%swap3A, %swap3A_22] {strides = array<i32>} : memref<128x64xf32, #tpu.memory_space<vmem>>, vector<1x16xf32>,
      %swap3A_24 = vector.shape_cast %swap3A_23 : vector<1x16xf32> to vector<16xf32>
      %swap3A_25 = vector.shape_cast %sub3A : vector<16xf32> to vector<1x16xf32>
      tpu.vector_store %arg8[%swap3A, %swap3A_22], %swap3A_25 {strides = array<i32>} : memref<128x64xf32, #tpu.memory_space<vmem>>, vector<1x16xf32>,
      %get3A_26 = arith.index_cast %scan3A_13 : i32 to index
      %get3A_27 = arith.constant 16 : index
      %get3A_28 = tpu.vector_load %arg9[%get3A_26, %get3A_27] {strides = array<i32>} : memref<128x64xf32, #tpu.memory_space<vmem>>, vector<1x16xf32>,
      %get3A_29 = vector.shape_cast %get3A_28 : vector<1x16xf32> to vector<16xf32>
      %get3A_30 = arith.index_cast %scan3A_13 : i32 to index
      %get3A_31 = arith.constant 16 : index
      %get3A_32 = tpu.vector_load %arg8[%get3A_30, %get3A_31] {strides = array<i32>} : memref<128x64xf32, #tpu.memory_space<vmem>>, vector<1x16xf32>,
      %get3A_33 = vector.shape_cast %get3A_32 : vector<1x16xf32> to vector<16xf32>
      %sub3A_34 = arith.subf %get3A_29, %get3A_33 : vector<16xf32>
      %swap3A_35 = arith.index_cast %scan3A_13 : i32 to index
      %swap3A_36 = arith.constant 16 : index
      %swap3A_37 = tpu.vector_load %arg8[%swap3A_35, %swap3A_36] {strides = array<i32>} : memref<128x64xf32, #tpu.memory_space<vmem>>, vector<1x16xf32>,
      %swap3A_38 = vector.shape_cast %swap3A_37 : vector<1x16xf32> to vector<16xf32>
      %swap3A_39 = vector.shape_cast %sub3A_34 : vector<16xf32> to vector<1x16xf32>
      tpu.vector_store %arg8[%swap3A_35, %swap3A_36], %swap3A_39 {strides = array<i32>} : memref<128x64xf32, #tpu.memory_space<vmem>>, vector<1x16xf32>,
      %get3A_40 = arith.index_cast %scan3A_13 : i32 to index
      %get3A_41 = arith.constant 32 : index
      %get3A_42 = tpu.vector_load %arg9[%get3A_40, %get3A_41] {strides = array<i32>} : memref<128x64xf32, #tpu.memory_space<vmem>>, vector<1x16xf32>,
      %get3A_43 = vector.shape_cast %get3A_42 : vector<1x16xf32> to vector<16xf32>
      %get3A_44 = arith.index_cast %scan3A_13 : i32 to index
      %get3A_45 = arith.constant 32 : index
      %get3A_46 = tpu.vector_load %arg8[%get3A_44, %get3A_45] {strides = array<i32>} : memref<128x64xf32, #tpu.memory_space<vmem>>, vector<1x16xf32>,
      %get3A_47 = vector.shape_cast %get3A_46 : vector<1x16xf32> to vector<16xf32>
      %sub3A_48 = arith.subf %get3A_43, %get3A_47 : vector<16xf32>
      %swap3A_49 = arith.index_cast %scan3A_13 : i32 to index
      %swap3A_50 = arith.constant 32 : index
      %swap3A_51 = tpu.vector_load %arg8[%swap3A_49, %swap3A_50] {strides = array<i32>} : memref<128x64xf32, #tpu.memory_space<vmem>>, vector<1x16xf32>,
      %swap3A_52 = vector.shape_cast %swap3A_51 : vector<1x16xf32> to vector<16xf32>
      %swap3A_53 = vector.shape_cast %sub3A_48 : vector<16xf32> to vector<1x16xf32>
      tpu.vector_store %arg8[%swap3A_49, %swap3A_50], %swap3A_53 {strides = array<i32>} : memref<128x64xf32, #tpu.memory_space<vmem>>, vector<1x16xf32>,
      %get3A_54 = arith.index_cast %scan3A_13 : i32 to index
      %get3A_55 = arith.constant 48 : index
      %get3A_56 = tpu.vector_load %arg9[%get3A_54, %get3A_55] {strides = array<i32>} : memref<128x64xf32, #tpu.memory_space<vmem>>, vector<1x16xf32>,
      %get3A_57 = vector.shape_cast %get3A_56 : vector<1x16xf32> to vector<16xf32>
      %get3A_58 = arith.index_cast %scan3A_13 : i32 to index
      %get3A_59 = arith.constant 48 : index
      %get3A_60 = tpu.vector_load %arg8[%get3A_58, %get3A_59] {strides = array<i32>} : memref<128x64xf32, #tpu.memory_space<vmem>>, vector<1x16xf32>,
      %get3A_61 = vector.shape_cast %get3A_60 : vector<1x16xf32> to vector<16xf32>
      %sub3A_62 = arith.subf %get3A_57, %get3A_61 : vector<16xf32>
      %swap3A_63 = arith.index_cast %scan3A_13 : i32 to index
      %swap3A_64 = arith.constant 48 : index
      %swap3A_65 = tpu.vector_load %arg8[%swap3A_63, %swap3A_64] {strides = array<i32>} : memref<128x64xf32, #tpu.memory_space<vmem>>, vector<1x16xf32>,
      %swap3A_66 = vector.shape_cast %swap3A_65 : vector<1x16xf32> to vector<16xf32>
      %swap3A_67 = vector.shape_cast %sub3A_62 : vector<16xf32> to vector<1x16xf32>
      tpu.vector_store %arg8[%swap3A_63, %swap3A_64], %swap3A_67 {strides = array<i32>} : memref<128x64xf32, #tpu.memory_space<vmem>>, vector<1x16xf32>,
      %scan3A_68 = arith.constant 0 : i32
      scf.yield %scan3A_68 : i32
    }
    %scan3A_12 = arith.constant 128 : i32
    "tpu.region"() ({
      %run_scoped3A = tpu.sem_alloc : memref<!tpu.dma_semaphore, #tpu.memory_space<semaphore_mem>>
      %dma_start3A_13 = arith.constant 0 : i32
      %dma_start3A_14 = tpu.memref_slice %arg6[%mul3A_2, %dma_start3A_13] : memref<4096x64xf32, #tpu.memory_space<hbm>> -> memref<128x64xf32, #tpu.memory_space<hbm>>
      %dma_start3A_15 = arith.constant 0 : i32
      %dma_start3A_16 = tpu.memref_slice %arg6[%mul3A_2, %dma_start3A_15] : memref<4096x64xf32, #tpu.memory_space<hbm>> -> memref<128x64xf32, #tpu.memory_space<hbm>>
      tpu.enqueue_dma source(%arg8 : memref<128x64xf32, #tpu.memory_space<vmem>>) target(%dma_start3A_16 : memref<128x64xf32, #tpu.memory_space<hbm>>) target_semaphore(%run_scoped3A : memref<!tpu.dma_semaphore, #tpu.memory_space<semaphore_mem>>)
      %dma_wait3A_17 = arith.constant 0 : i32
      %dma_wait3A_18 = tpu.memref_slice %arg6[%mul3A_2, %dma_wait3A_17] : memref<4096x64xf32, #tpu.memory_space<hbm>> -> memref<128x64xf32, #tpu.memory_space<hbm>>
      %dma_wait3A_19 = arith.constant 0 : i32
      %dma_wait3A_20 = tpu.memref_slice %arg6[%mul3A_2, %dma_wait3A_19] : memref<4096x64xf32, #tpu.memory_space<hbm>> -> memref<128x64xf32, #tpu.memory_space<hbm>>
      tpu.wait_dma2 semaphore(%run_scoped3A : memref<!tpu.dma_semaphore, #tpu.memory_space<semaphore_mem>>) src(%arg8 : memref<128x64xf32, #tpu.memory_space<vmem>>) dst(%dma_wait3A_20 : memref<128x64xf32, #tpu.memory_space<hbm>>)
      tpu.yield
    }) : () -> ()
    return
  }
}

#map = affine_map<(d0, d1) -> (0, 0)>
#map1 = affine_map<(d0, d1) -> (0)>
module attributes {stable_mosaic.version = 14 : i64} {
  func.func @k(%arg0: i32, %arg1: i32, %arg2: memref<8192x64xf32, #tpu.memory_space<hbm>>, %arg3: memref<4096xi32, #tpu.memory_space<hbm>>, %arg4: memref<4096x64xf32, #tpu.memory_space<hbm>>, %arg5: memref<4096x64xf32, #tpu.memory_space<hbm>>, %arg6: memref<4096x64xf32, #tpu.memory_space<hbm>>, %arg7: memref<4096x64xf32, #tpu.memory_space<hbm>>, %arg8: memref<128xi32, #tpu.memory_space<vmem>>, %arg9: memref<128x64xf32, #tpu.memory_space<vmem>>, %arg10: memref<128x64xf32, #tpu.memory_space<vmem>>, %arg11: memref<128x64xf32, #tpu.memory_space<vmem>>, %arg12: memref<!tpu.dma_semaphore, #tpu.memory_space<semaphore_mem>>) attributes {dimension_semantics = [#tpu.dimension_semantics<core_parallel>, #tpu.dimension_semantics<subcore_parallel>], iteration_bounds = array<i64: 2, 16>, scalar_prefetch = 0 : i64, scratch_operands = 5 : i64, tpu.core_type = #tpu.core_type<sc_vector_subcore>, window_params = [{transform_indices = #map}, {transform_indices = #map1}, {transform_indices = #map}, {transform_indices = #map}, {transform_indices = #map}, {transform_indices = #map}]} {
    %mul3A = arith.constant 2 : i32
    %mul3A_0 = arith.muli %arg1, %mul3A : i32
    %add3A = arith.addi %mul3A_0, %arg0 : i32
    %mul3A_1 = arith.constant 128 : i32
    %mul3A_2 = arith.muli %add3A, %mul3A_1 : i32
    "tpu.region"() ({
      %run_scoped3A = tpu.sem_alloc : memref<!tpu.dma_semaphore, #tpu.memory_space<semaphore_mem>>
      %dma_start3A_13 = tpu.memref_slice %arg3[%mul3A_2] : memref<4096xi32, #tpu.memory_space<hbm>> -> memref<128xi32, #tpu.memory_space<hbm>>
      %dma_start3A_14 = tpu.memref_slice %arg3[%mul3A_2] : memref<4096xi32, #tpu.memory_space<hbm>> -> memref<128xi32, #tpu.memory_space<hbm>>
      tpu.enqueue_dma source(%dma_start3A_14 : memref<128xi32, #tpu.memory_space<hbm>>) target(%arg8 : memref<128xi32, #tpu.memory_space<vmem>>) target_semaphore(%run_scoped3A : memref<!tpu.dma_semaphore, #tpu.memory_space<semaphore_mem>>)
      %dma_wait3A_15 = tpu.memref_slice %arg3[%mul3A_2] : memref<4096xi32, #tpu.memory_space<hbm>> -> memref<128xi32, #tpu.memory_space<hbm>>
      %dma_wait3A_16 = tpu.memref_slice %arg3[%mul3A_2] : memref<4096xi32, #tpu.memory_space<hbm>> -> memref<128xi32, #tpu.memory_space<hbm>>
      tpu.wait_dma2 semaphore(%run_scoped3A : memref<!tpu.dma_semaphore, #tpu.memory_space<semaphore_mem>>) src(%dma_wait3A_16 : memref<128xi32, #tpu.memory_space<hbm>>) dst(%arg8 : memref<128xi32, #tpu.memory_space<vmem>>)
      tpu.yield
    }) : () -> ()
    %dma_start3A = arith.constant 0 : i32
    %dma_start3A_3 = arith.constant 0 : i32
    %dma_start3A_4 = tpu.memref_slice %arg2[%dma_start3A, %dma_start3A_3] : memref<8192x64xf32, #tpu.memory_space<hbm>> -> memref<8192x64xf32, #tpu.memory_space<hbm>>
    tpu.enqueue_indirect_dma source(%dma_start3A_4 : memref<8192x64xf32, #tpu.memory_space<hbm>>) target(%arg9 : memref<128x64xf32, #tpu.memory_space<vmem>>) offsets(%arg8 : memref<128xi32, #tpu.memory_space<vmem>>) semaphore(%arg12 : memref<!tpu.dma_semaphore, #tpu.memory_space<semaphore_mem>>)
    %dma_wait3A = arith.constant 0 : i32
    %dma_wait3A_5 = arith.constant 0 : i32
    %dma_wait3A_6 = tpu.memref_slice %arg2[%dma_wait3A, %dma_wait3A_5] : memref<8192x64xf32, #tpu.memory_space<hbm>> -> memref<8192x64xf32, #tpu.memory_space<hbm>>
    tpu.wait_indirect_dma semaphore(%arg12 : memref<!tpu.dma_semaphore, #tpu.memory_space<semaphore_mem>>) src(%dma_wait3A_6 : memref<8192x64xf32, #tpu.memory_space<hbm>>) dst(%arg9 : memref<128x64xf32, #tpu.memory_space<vmem>>)
    "tpu.region"() ({
      %run_scoped3A = tpu.sem_alloc : memref<!tpu.dma_semaphore, #tpu.memory_space<semaphore_mem>>
      %dma_start3A_13 = arith.constant 0 : i32
      %dma_start3A_14 = tpu.memref_slice %arg6[%mul3A_2, %dma_start3A_13] : memref<4096x64xf32, #tpu.memory_space<hbm>> -> memref<128x64xf32, #tpu.memory_space<hbm>>
      %dma_start3A_15 = arith.constant 0 : i32
      %dma_start3A_16 = tpu.memref_slice %arg6[%mul3A_2, %dma_start3A_15] : memref<4096x64xf32, #tpu.memory_space<hbm>> -> memref<128x64xf32, #tpu.memory_space<hbm>>
      tpu.enqueue_dma source(%arg9 : memref<128x64xf32, #tpu.memory_space<vmem>>) target(%dma_start3A_16 : memref<128x64xf32, #tpu.memory_space<hbm>>) target_semaphore(%run_scoped3A : memref<!tpu.dma_semaphore, #tpu.memory_space<semaphore_mem>>)
      %dma_wait3A_17 = arith.constant 0 : i32
      %dma_wait3A_18 = tpu.memref_slice %arg6[%mul3A_2, %dma_wait3A_17] : memref<4096x64xf32, #tpu.memory_space<hbm>> -> memref<128x64xf32, #tpu.memory_space<hbm>>
      %dma_wait3A_19 = arith.constant 0 : i32
      %dma_wait3A_20 = tpu.memref_slice %arg6[%mul3A_2, %dma_wait3A_19] : memref<4096x64xf32, #tpu.memory_space<hbm>> -> memref<128x64xf32, #tpu.memory_space<hbm>>
      tpu.wait_dma2 semaphore(%run_scoped3A : memref<!tpu.dma_semaphore, #tpu.memory_space<semaphore_mem>>) src(%arg9 : memref<128x64xf32, #tpu.memory_space<vmem>>) dst(%dma_wait3A_20 : memref<128x64xf32, #tpu.memory_space<hbm>>)
      tpu.yield
    }) : () -> ()
    "tpu.region"() ({
      %run_scoped3A = tpu.sem_alloc : memref<!tpu.dma_semaphore, #tpu.memory_space<semaphore_mem>>
      %dma_start3A_13 = arith.constant 0 : i32
      %dma_start3A_14 = tpu.memref_slice %arg4[%mul3A_2, %dma_start3A_13] : memref<4096x64xf32, #tpu.memory_space<hbm>> -> memref<128x64xf32, #tpu.memory_space<hbm>>
      %dma_start3A_15 = arith.constant 0 : i32
      %dma_start3A_16 = tpu.memref_slice %arg4[%mul3A_2, %dma_start3A_15] : memref<4096x64xf32, #tpu.memory_space<hbm>> -> memref<128x64xf32, #tpu.memory_space<hbm>>
      tpu.enqueue_dma source(%dma_start3A_16 : memref<128x64xf32, #tpu.memory_space<hbm>>) target(%arg10 : memref<128x64xf32, #tpu.memory_space<vmem>>) target_semaphore(%run_scoped3A : memref<!tpu.dma_semaphore, #tpu.memory_space<semaphore_mem>>)
      %dma_wait3A_17 = arith.constant 0 : i32
      %dma_wait3A_18 = tpu.memref_slice %arg4[%mul3A_2, %dma_wait3A_17] : memref<4096x64xf32, #tpu.memory_space<hbm>> -> memref<128x64xf32, #tpu.memory_space<hbm>>
      %dma_wait3A_19 = arith.constant 0 : i32
      %dma_wait3A_20 = tpu.memref_slice %arg4[%mul3A_2, %dma_wait3A_19] : memref<4096x64xf32, #tpu.memory_space<hbm>> -> memref<128x64xf32, #tpu.memory_space<hbm>>
      tpu.wait_dma2 semaphore(%run_scoped3A : memref<!tpu.dma_semaphore, #tpu.memory_space<semaphore_mem>>) src(%dma_wait3A_20 : memref<128x64xf32, #tpu.memory_space<hbm>>) dst(%arg10 : memref<128x64xf32, #tpu.memory_space<vmem>>)
      tpu.yield
    }) : () -> ()
    "tpu.region"() ({
      %run_scoped3A = tpu.sem_alloc : memref<!tpu.dma_semaphore, #tpu.memory_space<semaphore_mem>>
      %dma_start3A_13 = arith.constant 0 : i32
      %dma_start3A_14 = tpu.memref_slice %arg5[%mul3A_2, %dma_start3A_13] : memref<4096x64xf32, #tpu.memory_space<hbm>> -> memref<128x64xf32, #tpu.memory_space<hbm>>
      %dma_start3A_15 = arith.constant 0 : i32
      %dma_start3A_16 = tpu.memref_slice %arg5[%mul3A_2, %dma_start3A_15] : memref<4096x64xf32, #tpu.memory_space<hbm>> -> memref<128x64xf32, #tpu.memory_space<hbm>>
      tpu.enqueue_dma source(%dma_start3A_16 : memref<128x64xf32, #tpu.memory_space<hbm>>) target(%arg11 : memref<128x64xf32, #tpu.memory_space<vmem>>) target_semaphore(%run_scoped3A : memref<!tpu.dma_semaphore, #tpu.memory_space<semaphore_mem>>)
      %dma_wait3A_17 = arith.constant 0 : i32
      %dma_wait3A_18 = tpu.memref_slice %arg5[%mul3A_2, %dma_wait3A_17] : memref<4096x64xf32, #tpu.memory_space<hbm>> -> memref<128x64xf32, #tpu.memory_space<hbm>>
      %dma_wait3A_19 = arith.constant 0 : i32
      %dma_wait3A_20 = tpu.memref_slice %arg5[%mul3A_2, %dma_wait3A_19] : memref<4096x64xf32, #tpu.memory_space<hbm>> -> memref<128x64xf32, #tpu.memory_space<hbm>>
      tpu.wait_dma2 semaphore(%run_scoped3A : memref<!tpu.dma_semaphore, #tpu.memory_space<semaphore_mem>>) src(%dma_wait3A_20 : memref<128x64xf32, #tpu.memory_space<hbm>>) dst(%arg11 : memref<128x64xf32, #tpu.memory_space<vmem>>)
      tpu.yield
    }) : () -> ()
    %scan3A = arith.constant 0 : i32
    %scan3A_7 = arith.constant 0 : i32
    %scan3A_8 = arith.constant 128 : i32
    %scan3A_9 = arith.addi %scan3A_7, %scan3A_8 : i32
    %scan3A_10 = arith.constant 1 : i32
    %scan3A_11 = scf.for %scan3A_13 = %scan3A_7 to %scan3A_9 step %scan3A_10 iter_args(%scan3A_14 = %scan3A) -> (i32)  : i32 {
      %get3A = arith.index_cast %scan3A_13 : i32 to index
      %get3A_15 = arith.constant 0 : index
      %get3A_16 = tpu.vector_load %arg10[%get3A, %get3A_15] {strides = array<i32>} : memref<128x64xf32, #tpu.memory_space<vmem>>, vector<1x16xf32>,
      %get3A_17 = vector.shape_cast %get3A_16 : vector<1x16xf32> to vector<16xf32>
      %get3A_18 = arith.index_cast %scan3A_13 : i32 to index
      %get3A_19 = arith.constant 0 : index
      %get3A_20 = tpu.vector_load %arg11[%get3A_18, %get3A_19] {strides = array<i32>} : memref<128x64xf32, #tpu.memory_space<vmem>>, vector<1x16xf32>,
      %get3A_21 = vector.shape_cast %get3A_20 : vector<1x16xf32> to vector<16xf32>
      %get3A_22 = arith.index_cast %scan3A_13 : i32 to index
      %get3A_23 = arith.constant 0 : index
      %get3A_24 = tpu.vector_load %arg9[%get3A_22, %get3A_23] {strides = array<i32>} : memref<128x64xf32, #tpu.memory_space<vmem>>, vector<1x16xf32>,
      %get3A_25 = vector.shape_cast %get3A_24 : vector<1x16xf32> to vector<16xf32>
      %add3A_26 = arith.addf %get3A_21, %get3A_25 : vector<16xf32>
      %sub3A = arith.subf %add3A_26, %get3A_17 : vector<16xf32>
      %add3A_27 = arith.addf %get3A_17, %sub3A : vector<16xf32>
      %swap3A = arith.index_cast %scan3A_13 : i32 to index
      %swap3A_28 = arith.constant 0 : index
      %swap3A_29 = tpu.vector_load %arg9[%swap3A, %swap3A_28] {strides = array<i32>} : memref<128x64xf32, #tpu.memory_space<vmem>>, vector<1x16xf32>,
      %swap3A_30 = vector.shape_cast %swap3A_29 : vector<1x16xf32> to vector<16xf32>
      %swap3A_31 = vector.shape_cast %add3A_27 : vector<16xf32> to vector<1x16xf32>
      tpu.vector_store %arg9[%swap3A, %swap3A_28], %swap3A_31 {strides = array<i32>} : memref<128x64xf32, #tpu.memory_space<vmem>>, vector<1x16xf32>,
      %get3A_32 = arith.index_cast %scan3A_13 : i32 to index
      %get3A_33 = arith.constant 16 : index
      %get3A_34 = tpu.vector_load %arg10[%get3A_32, %get3A_33] {strides = array<i32>} : memref<128x64xf32, #tpu.memory_space<vmem>>, vector<1x16xf32>,
      %get3A_35 = vector.shape_cast %get3A_34 : vector<1x16xf32> to vector<16xf32>
      %get3A_36 = arith.index_cast %scan3A_13 : i32 to index
      %get3A_37 = arith.constant 16 : index
      %get3A_38 = tpu.vector_load %arg11[%get3A_36, %get3A_37] {strides = array<i32>} : memref<128x64xf32, #tpu.memory_space<vmem>>, vector<1x16xf32>,
      %get3A_39 = vector.shape_cast %get3A_38 : vector<1x16xf32> to vector<16xf32>
      %get3A_40 = arith.index_cast %scan3A_13 : i32 to index
      %get3A_41 = arith.constant 16 : index
      %get3A_42 = tpu.vector_load %arg9[%get3A_40, %get3A_41] {strides = array<i32>} : memref<128x64xf32, #tpu.memory_space<vmem>>, vector<1x16xf32>,
      %get3A_43 = vector.shape_cast %get3A_42 : vector<1x16xf32> to vector<16xf32>
      %add3A_44 = arith.addf %get3A_39, %get3A_43 : vector<16xf32>
      %sub3A_45 = arith.subf %add3A_44, %get3A_35 : vector<16xf32>
      %add3A_46 = arith.addf %get3A_35, %sub3A_45 : vector<16xf32>
      %swap3A_47 = arith.index_cast %scan3A_13 : i32 to index
      %swap3A_48 = arith.constant 16 : index
      %swap3A_49 = tpu.vector_load %arg9[%swap3A_47, %swap3A_48] {strides = array<i32>} : memref<128x64xf32, #tpu.memory_space<vmem>>, vector<1x16xf32>,
      %swap3A_50 = vector.shape_cast %swap3A_49 : vector<1x16xf32> to vector<16xf32>
      %swap3A_51 = vector.shape_cast %add3A_46 : vector<16xf32> to vector<1x16xf32>
      tpu.vector_store %arg9[%swap3A_47, %swap3A_48], %swap3A_51 {strides = array<i32>} : memref<128x64xf32, #tpu.memory_space<vmem>>, vector<1x16xf32>,
      %get3A_52 = arith.index_cast %scan3A_13 : i32 to index
      %get3A_53 = arith.constant 32 : index
      %get3A_54 = tpu.vector_load %arg10[%get3A_52, %get3A_53] {strides = array<i32>} : memref<128x64xf32, #tpu.memory_space<vmem>>, vector<1x16xf32>,
      %get3A_55 = vector.shape_cast %get3A_54 : vector<1x16xf32> to vector<16xf32>
      %get3A_56 = arith.index_cast %scan3A_13 : i32 to index
      %get3A_57 = arith.constant 32 : index
      %get3A_58 = tpu.vector_load %arg11[%get3A_56, %get3A_57] {strides = array<i32>} : memref<128x64xf32, #tpu.memory_space<vmem>>, vector<1x16xf32>,
      %get3A_59 = vector.shape_cast %get3A_58 : vector<1x16xf32> to vector<16xf32>
      %get3A_60 = arith.index_cast %scan3A_13 : i32 to index
      %get3A_61 = arith.constant 32 : index
      %get3A_62 = tpu.vector_load %arg9[%get3A_60, %get3A_61] {strides = array<i32>} : memref<128x64xf32, #tpu.memory_space<vmem>>, vector<1x16xf32>,
      %get3A_63 = vector.shape_cast %get3A_62 : vector<1x16xf32> to vector<16xf32>
      %add3A_64 = arith.addf %get3A_59, %get3A_63 : vector<16xf32>
      %sub3A_65 = arith.subf %add3A_64, %get3A_55 : vector<16xf32>
      %add3A_66 = arith.addf %get3A_55, %sub3A_65 : vector<16xf32>
      %swap3A_67 = arith.index_cast %scan3A_13 : i32 to index
      %swap3A_68 = arith.constant 32 : index
      %swap3A_69 = tpu.vector_load %arg9[%swap3A_67, %swap3A_68] {strides = array<i32>} : memref<128x64xf32, #tpu.memory_space<vmem>>, vector<1x16xf32>,
      %swap3A_70 = vector.shape_cast %swap3A_69 : vector<1x16xf32> to vector<16xf32>
      %swap3A_71 = vector.shape_cast %add3A_66 : vector<16xf32> to vector<1x16xf32>
      tpu.vector_store %arg9[%swap3A_67, %swap3A_68], %swap3A_71 {strides = array<i32>} : memref<128x64xf32, #tpu.memory_space<vmem>>, vector<1x16xf32>,
      %get3A_72 = arith.index_cast %scan3A_13 : i32 to index
      %get3A_73 = arith.constant 48 : index
      %get3A_74 = tpu.vector_load %arg10[%get3A_72, %get3A_73] {strides = array<i32>} : memref<128x64xf32, #tpu.memory_space<vmem>>, vector<1x16xf32>,
      %get3A_75 = vector.shape_cast %get3A_74 : vector<1x16xf32> to vector<16xf32>
      %get3A_76 = arith.index_cast %scan3A_13 : i32 to index
      %get3A_77 = arith.constant 48 : index
      %get3A_78 = tpu.vector_load %arg11[%get3A_76, %get3A_77] {strides = array<i32>} : memref<128x64xf32, #tpu.memory_space<vmem>>, vector<1x16xf32>,
      %get3A_79 = vector.shape_cast %get3A_78 : vector<1x16xf32> to vector<16xf32>
      %get3A_80 = arith.index_cast %scan3A_13 : i32 to index
      %get3A_81 = arith.constant 48 : index
      %get3A_82 = tpu.vector_load %arg9[%get3A_80, %get3A_81] {strides = array<i32>} : memref<128x64xf32, #tpu.memory_space<vmem>>, vector<1x16xf32>,
      %get3A_83 = vector.shape_cast %get3A_82 : vector<1x16xf32> to vector<16xf32>
      %add3A_84 = arith.addf %get3A_79, %get3A_83 : vector<16xf32>
      %sub3A_85 = arith.subf %add3A_84, %get3A_75 : vector<16xf32>
      %add3A_86 = arith.addf %get3A_75, %sub3A_85 : vector<16xf32>
      %swap3A_87 = arith.index_cast %scan3A_13 : i32 to index
      %swap3A_88 = arith.constant 48 : index
      %swap3A_89 = tpu.vector_load %arg9[%swap3A_87, %swap3A_88] {strides = array<i32>} : memref<128x64xf32, #tpu.memory_space<vmem>>, vector<1x16xf32>,
      %swap3A_90 = vector.shape_cast %swap3A_89 : vector<1x16xf32> to vector<16xf32>
      %swap3A_91 = vector.shape_cast %add3A_86 : vector<16xf32> to vector<1x16xf32>
      tpu.vector_store %arg9[%swap3A_87, %swap3A_88], %swap3A_91 {strides = array<i32>} : memref<128x64xf32, #tpu.memory_space<vmem>>, vector<1x16xf32>,
      %scan3A_92 = arith.constant 0 : i32
      scf.yield %scan3A_92 : i32
    }
    %scan3A_12 = arith.constant 128 : i32
    "tpu.region"() ({
      %run_scoped3A = tpu.sem_alloc : memref<!tpu.dma_semaphore, #tpu.memory_space<semaphore_mem>>
      %dma_start3A_13 = arith.constant 0 : i32
      %dma_start3A_14 = tpu.memref_slice %arg7[%mul3A_2, %dma_start3A_13] : memref<4096x64xf32, #tpu.memory_space<hbm>> -> memref<128x64xf32, #tpu.memory_space<hbm>>
      %dma_start3A_15 = arith.constant 0 : i32
      %dma_start3A_16 = tpu.memref_slice %arg7[%mul3A_2, %dma_start3A_15] : memref<4096x64xf32, #tpu.memory_space<hbm>> -> memref<128x64xf32, #tpu.memory_space<hbm>>
      tpu.enqueue_dma source(%arg9 : memref<128x64xf32, #tpu.memory_space<vmem>>) target(%dma_start3A_16 : memref<128x64xf32, #tpu.memory_space<hbm>>) target_semaphore(%run_scoped3A : memref<!tpu.dma_semaphore, #tpu.memory_space<semaphore_mem>>)
      %dma_wait3A_17 = arith.constant 0 : i32
      %dma_wait3A_18 = tpu.memref_slice %arg7[%mul3A_2, %dma_wait3A_17] : memref<4096x64xf32, #tpu.memory_space<hbm>> -> memref<128x64xf32, #tpu.memory_space<hbm>>
      %dma_wait3A_19 = arith.constant 0 : i32
      %dma_wait3A_20 = tpu.memref_slice %arg7[%mul3A_2, %dma_wait3A_19] : memref<4096x64xf32, #tpu.memory_space<hbm>> -> memref<128x64xf32, #tpu.memory_space<hbm>>
      tpu.wait_dma2 semaphore(%run_scoped3A : memref<!tpu.dma_semaphore, #tpu.memory_space<semaphore_mem>>) src(%arg9 : memref<128x64xf32, #tpu.memory_space<vmem>>) dst(%dma_wait3A_20 : memref<128x64xf32, #tpu.memory_space<hbm>>)
      tpu.yield
    }) : () -> ()
    return
  }
}

module attributes {stable_mosaic.version = 14 : i64} {
  func.func @_argmin_body(%arg0: i32, %arg1: memref<1024x64xf32, #tpu.memory_space<vmem>>, %arg2: memref<8192x64xf32, #tpu.memory_space<vmem>>, %arg3: memref<1024x1xf32, #tpu.memory_space<vmem>>, %arg4: memref<1x8192xf32, #tpu.memory_space<vmem>>, %arg5: memref<1x8192xf32, #tpu.memory_space<vmem>>, %arg6: memref<1x1024xi32, #tpu.memory_space<vmem>>) attributes {dimension_semantics = [#tpu.dimension_semantics<parallel>], iteration_bounds = array<i64: 4>, scalar_prefetch = 0 : i64, scratch_operands = 0 : i64, tpu.core_type = #tpu.core_type<tc>, window_params = [{transform_indices = @transform_0, window_bounds = array<i64: 1024, 64>}, {pipeline_mode = #tpu.pipeline_mode<synchronous>, transform_indices = @transform_1, window_bounds = array<i64: 8192, 64>}, {transform_indices = @transform_2, window_bounds = array<i64: 1024, 1>}, {pipeline_mode = #tpu.pipeline_mode<synchronous>, transform_indices = @transform_3, window_bounds = array<i64: 1, 8192>}, {pipeline_mode = #tpu.pipeline_mode<synchronous>, transform_indices = @transform_4, window_bounds = array<i64: 1, 8192>}, {transform_indices = @transform_5, window_bounds = array<i64: 1, 1024>}]} {
    %get3A = arith.constant 0 : index
    %get3A_0 = arith.constant 0 : index
    %get3A_1 = vector.load %arg1[%get3A, %get3A_0] : memref<1024x64xf32, #tpu.memory_space<vmem>>, vector<1024x64xf32>
    %mul3A = arith.constant -2.000000e+00 : f32
    %mul3A_2 = vector.broadcast %mul3A : f32 to vector<1024x64xf32>
    %mul3A_3 = arith.mulf %get3A_1, %mul3A_2 : vector<1024x64xf32>
    %get3A_4 = arith.constant 0 : index
    %get3A_5 = arith.constant 0 : index
    %get3A_6 = vector.load %arg2[%get3A_4, %get3A_5] : memref<8192x64xf32, #tpu.memory_space<vmem>>, vector<8192x64xf32>
    %dot_general3A = arith.constant dense<0.000000e+00> : vector<1024x8192xf32>
    %dot_general3A_7 = tpu.matmul %mul3A_3, %get3A_6, %dot_general3A {dimension_numbers = #tpu.dot_dimension_numbers<[1], [1], [0], [0], [0, 0, 1, 0], [], []>, transpose_lhs_hint = false} : vector<1024x64xf32>, vector<8192x64xf32>, vector<1024x8192xf32> -> vector<1024x8192xf32>
    %get3A_8 = arith.constant 0 : index
    %get3A_9 = arith.constant 0 : index
    %get3A_10 = vector.load %arg3[%get3A_8, %get3A_9] : memref<1024x1xf32, #tpu.memory_space<vmem>>, vector<1024x1xf32>
    %add3A = vector.broadcast %get3A_10 : vector<1024x1xf32> to vector<1024x8192xf32>
    %add3A_11 = arith.addf %add3A, %dot_general3A_7 : vector<1024x8192xf32>
    %get3A_12 = arith.constant 0 : index
    %get3A_13 = arith.constant 0 : index
    %get3A_14 = vector.load %arg4[%get3A_12, %get3A_13] : memref<1x8192xf32, #tpu.memory_space<vmem>>, vector<1x8192xf32>
    %add3A_15 = vector.broadcast %get3A_14 : vector<1x8192xf32> to vector<1024x8192xf32>
    %add3A_16 = arith.addf %add3A_11, %add3A_15 : vector<1024x8192xf32>
    %reduce_min3A = arith.constant dense<0x7F800000> : vector<1024xf32>
    %reduce_min3A_17 = vector.multi_reduction <minimumf>, %add3A_16, %reduce_min3A [1] : vector<1024x8192xf32> to vector<1024xf32>
    %broadcast_in_dim3A = vector.shape_cast %reduce_min3A_17 : vector<1024xf32> to vector<1024x1xf32>
    %eq3A = vector.broadcast %broadcast_in_dim3A : vector<1024x1xf32> to vector<1024x8192xf32>
    %eq3A_18 = arith.cmpf oeq, %add3A_16, %eq3A : vector<1024x8192xf32>
    %get3A_19 = arith.constant 0 : index
    %get3A_20 = arith.constant 0 : index
    %get3A_21 = vector.load %arg5[%get3A_19, %get3A_20] : memref<1x8192xf32, #tpu.memory_space<vmem>>, vector<1x8192xf32>
    %jit3A = arith.constant 8.192000e+03 : f32
    %broadcast_in_dim3A_22 = vector.shape_cast %get3A_21 : vector<1x8192xf32> to vector<1x8192xf32>
    %broadcast_in_dim3A_23 = vector.broadcast %broadcast_in_dim3A_22 : vector<1x8192xf32> to vector<1024x8192xf32>
    %broadcast_in_dim3A_24 = vector.broadcast %jit3A : f32 to vector<1024x8192xf32>
    %select_n3A = arith.select %eq3A_18, %broadcast_in_dim3A_23, %broadcast_in_dim3A_24 : vector<1024x8192xi1>, vector<1024x8192xf32>
    %reduce_min3A_25 = arith.constant dense<0x7F800000> : vector<1024xf32>
    %reduce_min3A_26 = vector.multi_reduction <minimumf>, %select_n3A, %reduce_min3A_25 [1] : vector<1024x8192xf32> to vector<1024xf32>
    %broadcast_in_dim3A_27 = vector.shape_cast %reduce_min3A_26 : vector<1024xf32> to vector<1024x1xf32>
    %convert_element_type3A = arith.fptosi %broadcast_in_dim3A_27 : vector<1024x1xf32> to vector<1024x1xi32>
    %transpose3A = tpu.transpose %convert_element_type3A, [1, 0] : vector<1024x1xi32> -> vector<1x1024xi32>
    %swap3A = arith.constant 0 : index
    %swap3A_28 = arith.constant 0 : index
    %swap3A_29 = vector.load %arg6[%swap3A, %swap3A_28] : memref<1x1024xi32, #tpu.memory_space<vmem>>, vector<1x1024xi32>
    tpu.vector_store %arg6[%swap3A, %swap3A_28], %transpose3A {strides = array<i32>} : memref<1x1024xi32, #tpu.memory_space<vmem>>, vector<1x1024xi32>,
    return
  }
  func.func @transform_0(%arg0: i32) -> (i32, i32) {
    %c0_i32 = arith.constant 0 : i32
    %c0_i32_0 = arith.constant 0 : i32
    return %arg0, %c0_i32 : i32, i32
  }
  func.func @transform_1(%arg0: i32) -> (i32, i32) {
    %c0_i32 = arith.constant 0 : i32
    %c0_i32_0 = arith.constant 0 : i32
    %c0_i32_1 = arith.constant 0 : i32
    return %c0_i32, %c0_i32_0 : i32, i32
  }
  func.func @transform_2(%arg0: i32) -> (i32, i32) {
    %c0_i32 = arith.constant 0 : i32
    %c0_i32_0 = arith.constant 0 : i32
    return %arg0, %c0_i32 : i32, i32
  }
  func.func @transform_3(%arg0: i32) -> (i32, i32) {
    %c0_i32 = arith.constant 0 : i32
    %c0_i32_0 = arith.constant 0 : i32
    %c0_i32_1 = arith.constant 0 : i32
    return %c0_i32, %c0_i32_0 : i32, i32
  }
  func.func @transform_4(%arg0: i32) -> (i32, i32) {
    %c0_i32 = arith.constant 0 : i32
    %c0_i32_0 = arith.constant 0 : i32
    %c0_i32_1 = arith.constant 0 : i32
    return %c0_i32, %c0_i32_0 : i32, i32
  }
  func.func @transform_5(%arg0: i32) -> (i32, i32) {
    %c0_i32 = arith.constant 0 : i32
    %c0_i32_0 = arith.constant 0 : i32
    return %c0_i32, %arg0 : i32, i32
  }
}

</mosaic_0001>

<sc_bundles>
// kernel: kernel.11.cloned.1.call-start
scs
__scs_entry_jumppad:
0x0: {  	(pc) =	sbr.rel $0x88, $3  }
0x1: {  	(tag) =	ssettag $0x0;
	lr =	simm.s32 $0x1  }
0x2: {  	[smem:$0x3F9E] =	sst lr;
	_ =	strace $0xD0000000  }
0x3: {  	_ = 	snop  }
0x4: {  	_ = 	snop  }
0x5: {  	_ = 	snop  }
0x6: {  	_ = 	snop  }
0x7: {  	_ = 	snop  }
__scs_overlays_trampoline_lowered:
0x8: {  	[smem:$0x3FAD] =	sst s0  }
0x9: {  	[smem:$0x3FAE] =	sst s1  }
0xa: {  	[smem:$0x3FAF] =	sst s2  }
0xb: {  	[smem:$0x3FB0] =	sst s3  }
0xc: {  	[smem:$0x3FB1] =	sst s4  }
0xd: {  	[smem:$0x3FB2] =	sst s5  }
0xe: {  	[smem:$0x3FB3] =	sst s6  }
0xf: {  	[smem:$0x3FB4] =	sst s7  }
0x10: {  	[smem:$0x3FB5] =	sst s8  }
0x11: {  	[smem:$0x3FB6] =	sst s9;
	s0 =	simm.s32 @!p0 $0x0  }
0x12: {  	s1 =	sld [smem:$0x3F9C];
	s0 =	simm.s32 @p0 $0x1  }
0x13: {  	[smem:$0x3FB7] =	sst s0;
	s0 =	simm.s32 @!p1 $0x0  }
0x14: {  	s2 =	sld [smem:$0x3F9B];
	s0 =	simm.s32 @p1 $0x1  }
0x15: {  	[smem:$0x3FB8] =	sst s0;
	s0 =	simm.s32 @!p2 $0x0  }
0x16: {  	s3 =	sld [smem:$0x3FDB];
	s0 =	simm.s32 @p2 $0x1  }
0x17: {  	s4 =	simm.s32 $0x1BF5;
	[smem:$0x3FBA] =	sst s0  }
0x18: {  	s0 =	sld [smem:$0x3F9D];
	_ =	swait.ge [sflag:s4], $0x0  }
0x19: {  	s7 =	sld [smem:$0x3F9E]  }
0x1a: {  	s8 =	sadd.s32 $0xFFFFE003, lr  }
0x1b: {  	s9 =	sadd.s32 $0xFFFFFEF7, lr;
	s5 =	simm.s32 $0xFFFFFFFF;
	p2 =	slt.u32 s8, $0xFFFFF086  }
0x1c: {  	p1 =	slt.u32 s9, $0xF7A;
	s5 =	simm.s32 @!p2 $0x0  }
0x1d: {  	s5 =	simm.s32 @p1 $0x1;
	p0 =	seq.s32 s7, s2  }
0x1e: {  	s7 =	smul.u32 @!p0 $0xF7A, s2;
	p2 =	seq.s32 @!p0 s5, $0x0  }
0x1f: {  	s9 =	smul.u32 $0xF7A, s1;
	s8 =	simm.s32 @!p0 $0x1BF5;
	p2 =	por !p2, p0  }
0x20: {  	[sflag:s8] =	ssyncset.s32 @!p0 $0xFFFFF086;
	s6 =	sadd.s32 @!p0 s3, s7;
	s7 =	simm.s32 @!p0 $0x108  }
0x21: {  	s3 =	sadd.s32 s3, s9;
	s6 =	sadd.s32 @!p0 $0x88, s6;
	s7 =	simm.s32 @p2 $0x1082  }
0x22: {  	[simem:s7], [sflag:s8] =	dma.local @!p0 [hbm:s6], $0xF7A  }
0x23: {  	s9 =	sor.u32 $0xD0000000, s2;
	s6 =	simm.s32 $0x108;
	_ =	swait.ge @!p0 [sflag:s8], $0x0  }
0x24: {  	s3 =	sadd.s32 $0x88, s3;
	s6 =	simm.s32 @!p1 $0x1082;
	[sflag:s4] =	ssyncset.s32 $0xFFFFF086  }
0x25: {  	[simem:s6], [sflag:s4] =	dma.local [hbm:s3], $0xF7A  }
0x26: {  	[smem:$0x3F9E] =	sst s1;
	(tag) =	ssettag s2;
	_ =	strace s9  }
0x27: {  	s1 =	sld [smem:$0x3FAE]  }
0x28: {  	s2 =	sld [smem:$0x3FAF]  }
0x29: {  	s4 =	sld [smem:$0x3FB1]  }
0x2a: {  	p0 =	seq.s32 s5, $0x0;
	s5 =	sld [smem:$0x3FB2]  }
0x2b: {  	s6 =	sld [smem:$0x3FB3]  }
0x2c: {  	s7 =	sld [smem:$0x3FB4]  }
0x2d: {  	s3 =	simm.s32 $0x108;
	s8 =	sld [smem:$0x3FB5]  }
0x2e: {  	s3 =	simm.s32 @!p0 $0x1082;
	s9 =	sld [smem:$0x3FB6]  }
0x2f: {  	lr =	sadd.s32 s0, s3;
	s0 =	sld [smem:$0x3FAD]  }
0x30: {  	s3 =	sld [smem:$0x3FB0]  }
0x31: {  	[smem:$0x3FB9] =	sst s10  }
0x32: {  	s10 =	sld [smem:$0x3FB7];
	_ =	sdelay $0x3  }
0x33: {  	p0 =	seq.s32 s10, $0x1;
	s10 =	sld [smem:$0x3FB9];
	_ =	sdelay $0x3  }
0x34: {  	[smem:$0x3FB9] =	sst s10  }
0x35: {  	s10 =	sld [smem:$0x3FB8];
	_ =	sdelay $0x3  }
0x36: {  	p1 =	seq.s32 s10, $0x1;
	s10 =	sld [smem:$0x3FB9];
	_ =	sdelay $0x3  }
0x37: {  	[smem:$0x3FB9] =	sst s10  }
0x38: {  	s10 =	sld [smem:$0x3FBA]  }
0x39: {  	_ = 	snop;
	(pc) =	sbr.ind lr, $3  }
0x3a: {  	_ = 	snop  }
0x3b: {  	_ = 	snop  }
0x3c: {  	p2 =	seq.s32 s10, $0x1;
	s10 =	sld [smem:$0x3FB9]  }
0x3d: {  	_ =	shalt  }
0x3e: {  	_ =	shalt  }
0x3f: {  	_ =	shalt  }
0x40: {  	_ =	shalt  }
0x41: {  	_ =	shalt  }
0x42: {  	_ =	shalt  }
0x43: {  	_ =	shalt  }
0x44: {  	_ =	shalt  }
0x45: {  	_ =	shalt  }
0x46: {  	_ =	shalt  }
0x47: {  	_ =	shalt  }
0x48: {  	_ =	shalt  }
0x49: {  	_ =	shalt  }
0x4a: {  	_ =	shalt  }
0x4b: {  	_ =	shalt  }
0x4c: {  	_ =	shalt  }
0x4d: {  	_ =	shalt  }
0x4e: {  	_ =	shalt  }
0x4f: {  	_ =	shalt  }
0x50: {  	_ =	shalt  }
0x51: {  	_ =	shalt  }
0x52: {  	_ =	shalt  }
0x53: {  	_ =	shalt  }
0x54: {  	_ =	shalt  }
0x55: {  	_ =	shalt  }
0x56: {  	_ =	shalt  }
0x57: {  	_ =	shalt  }
0x58: {  	_ =	shalt  }
0x59: {  	_ =	shalt  }
0x5a: {  	_ =	shalt  }
0x5b: {  	_ =	shalt  }
0x5c: {  	_ =	shalt  }
0x5d: {  	_ =	shalt  }
0x5e: {  	_ =	shalt  }
0x5f: {  	_ =	shalt  }
0x60: {  	_ =	shalt  }
0x61: {  	_ =	shalt  }
0x62: {  	_ =	shalt  }
0x63: {  	_ =	shalt  }
0x64: {  	_ =	shalt  }
0x65: {  	_ =	shalt  }
0x66: {  	_ =	shalt  }
0x67: {  	_ =	shalt  }
0x68: {  	_ =	shalt  }
0x69: {  	_ =	shalt  }
0x6a: {  	_ =	shalt  }
0x6b: {  	_ =	shalt  }
0x6c: {  	_ =	shalt  }
0x6d: {  	_ =	shalt  }
0x6e: {  	_ =	shalt  }
0x6f: {  	_ =	shalt  }
0x70: {  	_ =	shalt  }
0x71: {  	_ =	shalt  }
0x72: {  	_ =	shalt  }
0x73: {  	_ =	shalt  }
0x74: {  	_ =	shalt  }
0x75: {  	_ =	shalt  }
0x76: {  	_ =	shalt  }
0x77: {  	_ =	shalt  }
0x78: {  	_ =	shalt  }
0x79: {  	_ =	shalt  }
0x7a: {  	_ =	shalt  }
0x7b: {  	_ =	shalt  }
0x7c: {  	_ =	shalt  }
0x7d: {  	_ =	shalt  }
0x7e: {  	_ =	shalt  }
0x7f: {  	_ =	shalt  }
0x80: {  	_ =	shalt  }
0x81: {  	_ =	shalt  }
0x82: {  	_ =	shalt  }
0x83: {  	_ =	shalt  }
0x84: {  	_ =	shalt  }
0x85: {  	_ =	shalt  }
0x86: {  	_ =	shalt  }
0x87: {  	_ =	shalt  }
.Lfunc_end0:
.L_simem_size_0:
called_computation.1_lowered:
.L_overlay_start_0:
0x88: {  	s2 =	sld [smem:$0x3FD9]  }
0x89: {  	s3 =	sld [smem:$0x3FFE];
	_ =	sdelay $0x1  }
0x8a: {  	s1 =	srdreg.scid  }
0x8b: {  	s0 =	sand.u32 $0x1, s1  }
0x8c: {  	s17 =	sshll.u32 s0, $0xA;
	s2 =	sadd.s32 s3, s2  }
0x8d: {  	s2 =	sadd.s32 s2, s17  }
0x8e: {  	[smem:$0x3FC5] =	sst s2  }
0x8f: {  	_ = 	snop  }
0x90: {  	(tm) =	ssettm $0x1  }
0x91: {  	s18 =	sld [smem:$0x3FFB];
	_ =	sdelay $0x3  }
0x92: {  	_ =	strace s18  }
0x93: {  	s2 =	sld [smem:$0x3FFC];
	_ =	sdelay $0x3  }
0x94: {  	_ =	strace s2  }
0x95: {  	s2 =	sld [smem:$0x3FFD];
	_ =	sdelay $0x3  }
0x96: {  	_ =	strace s2  }
0x97: {  	_ =	strace $0x8FFFFFFF  }
0x98: {  	s19 =	sld [smem:$0x3FDB];
	_ =	sdelay $0x1  }
0x99: {  	s20 =	simm.s32 $_scs_section_size  }
0x9a: {  	s4 =	simm.s32 $_size__tile_overlayer_lowered;
	s5 =	simm.s32 $_tile_overlayer_lowered  }
0x9b: {  	s6 =	simm.s32 $0x1BFF;
	s21 =	sshll.u32 s5, $0x1;
	s3 =	sadd.s32 s20, s19  }
0x9c: {  	s22 =	simm.s32 $0x0;
	s4 =	sshll.u32 s4, $0x1;
	s5 =	sadd.s32 s21, s3  }
0x9d: {  	[timem:s22], [sflag:s6] =	dma.local [hbm:s5], s4  }
0x9e: {  	_ =	swait.ge [sflag:s6], s4  }
0x9f: {  	s4 =	ssub.s32 $0x0, s4;
	[sflag:s6] =	ssyncset.done $0x0  }
0xa0: {  	[sflag:s6] =	ssyncadd.s32 s4;
	_ =	sdelay $0x1  }
0xa1: {  	s23 =	simm.s32 $0x1B8B  }
0xa2: {  	_ =	swait.ge [sflag:s23], $0x1  }
0xa3: {  	[sflag:s23] =	ssyncset.done $0x0  }
0xa4: {  	[sflag:s23] =	ssyncadd.s32 $0xFFFFFFFF  }
0xa5: {  	s4 =	sld [smem:$0x0]  }
0xa6: {  	s5 =	sand.u32 $0xFFFFFFFE, s1  }
0xa7: {  	p0 =	sne.s32 s1, s5  }
0xa8: {  	s5 =	sshll.u32 @p0 s5, $0xE  }
0xa9: {  	s5 =	sadd.s32 @p0 $0x11B8D, s5;
	s6 =	sshll.u32 @p0 s4, $0x11  }
0xaa: {  	s5 =	sor.u32 @p0 s6, s5  }
0xab: {  	[sflag:s5] =	ssyncadd.remote.s32 @p0 $0x1;
	_ =	sdelay $0x1  }
0xac: {  	s5 =	simm.s32 @p0 $0x1B8D  }
0xad: {  	_ =	swait.eq @p0 [sflag:s5], $0x1  }
0xae: {  	[sflag:s5] =	ssyncadd.s32 @p0 $0xFFFFFFFF  }
0xaf: {  	s6 =	sshll.u32 @!p0 s1, $0xE  }
0xb0: {  	s6 =	sor.u32 @!p0 $0x4000, s6;
	s5 =	simm.s32 @!p0 $0x1B8D  }
0xb1: {  	s4 =	sshll.u32 @!p0 s4, $0x11;
	s6 =	sadd.s32 @!p0 $0x11B8D, s6;
	_ =	swait.eq @!p0 [sflag:s5], $0x1  }
0xb2: {  	s4 =	sor.u32 @!p0 s4, s6;
	[sflag:s5] =	ssyncadd.s32 @!p0 $0xFFFFFFFF  }
0xb3: {  	s25 =	simm.s32 $0x1B8E;
	s24 =	sld [smem:$0x3FFE];
	[sflag:s4] =	ssyncadd.remote.s32 @!p0 $0x1  }
0xb4: {  	s26 =	simm.s32 $execute0_lowered;
	[smem:$0x3FD2] =	sst s25  }
0xb5: {  	s5 =	sshll.u32 s26, $0x1;
	_ =	strace $0x80000049;
	[dreg:$0x1] =	wrdreg $0xFFFFFFFF  }
0xb6: {  	s28 =	simm.s32 $_size_execute0_lowered;
	s3 =	sadd.s32 s3, s5;
	[dreg:$0x0] =	wrdreg $0x0  }
0xb7: {  	s5 =	sshll.u32 s28, $0x1;
	[dreg:$0x2] =	wrdreg s3  }
0xb8: {  	[dreg:$0x3] =	wrdreg s5  }
0xb9: {  	[dreg:$0x4] =	wrdreg $0xC0  }
0xba: {  	_ =	task [dreg:s22], $0x5FFFF  }
0xbb: {  	[dreg:$0x1] =	wrdreg $0xFFFFFFFF  }
0xbc: {  	[dreg:$0x0] =	wrdreg $0x60  }
0xbd: {  	[dreg:$0x2] =	wrdreg s24  }
0xbe: {  	[dreg:$0x3] =	wrdreg $0x3000  }
0xbf: {  	[dreg:$0x4] =	wrdreg $0x9  }
0xc0: {  	_ =	task.clear_ibuf [dreg:s22], $0x5FFFF;
	_ =	strace $0x90000049  }
0xc1: {  	s29 =	simm.s32 $0x9;
	_ =	strace $0x8000004B  }
0xc2: {  	_ =	swait.ge [sflag:s29], $0x1  }
0xc3: {  	[sflag:s29] =	ssyncadd.s32 $0xFFFFFFFF  }
0xc4: {  	_ =	strace $0x9000004B  }
0xc5: {  	_ =	sfence  }
0xc6: {  	s30 =	sld [smem:$0x0];
	_ =	sdelay $0x2  }
0xc7: {  	s31 =	sshll.u32 s1, $0xD;
	s1 =	sshrl.u32 s1, $0x2  }
0xc8: {  	s4 =	sand.u32 $0x4000, s31;
	s1 =	sadd.s32 s1, s30  }
0xc9: {  	s0 =	sor.u32 s4, s0;
	s1 =	sshll.u32 s1, $0x11  }
0xca: {  	s0 =	sor.u32 s1, s0  }
0xcb: {  	s0 =	sadd.s32 $0x8F2B, s0  }
0xcc: {  	[sflag:s0] =	ssyncadd.remote.s32 $0x1  }
0xcd: {  	_ =	sfence.sel $0xFFFF  }
0xce: {  	[dreg:$0x0] =	wrdreg $0xFFFFFFFF;
	(pc) =	sbr.abs _section_cstart, $3  }
0xcf: {  	[dreg:$0x1] =	wrdreg $0xFFFFFFFF  }
0xd0: {  	_ =	task.clear_ibuf [dreg:s22], $0x2FFFF;
	_ =	strace $0x9FFFFFFF  }
0xd1: {  	(tm) =	ssettm $0x7FFFFFFF  }
tec
execute0_lowered:
.L_overlay_start_1:
0x0: {  	(tag) =	ssettag $0x1  }
0x1: {  	s7 =	rddreg [dreg:$0x0]  }
0x2: {  	s1 =	rddreg [dreg:$0x1];
	s2 =	simm.s32 $0x0  }
0x3: {  	v0 =	vimm.f32 $0.0e+00;
	[smem:$0x7FF] =	sst s2  }
0x4: {  	s0 =	rddreg [dreg:$0x2];
	_ =	strace $0x8000004A;
	[tilespmem:$0x190] =	vst v0  }
0x5: {  	[tilespmem:$0x1A0] =	vst v0  }
0x6: {  	[tilespmem:$0x1B0] =	vst v0  }
0x7: {  	[tilespmem:$0x1C0] =	vst v0  }
0x8: {  	[tilespmem:$0x1D0] =	vst v0  }
0x9: {  	[tilespmem:$0x100] =	vst v0  }
0xa: {  	[tilespmem:$0x2F0] =	vst v0  }
0xb: {  	[tilespmem:$0x2E0] =	vst v0  }
0xc: {  	[tilespmem:$0x2D0] =	vst v0  }
0xd: {  	[tilespmem:$0x2C0] =	vst v0  }
0xe: {  	[tilespmem:$0x2B0] =	vst v0  }
0xf: {  	[tilespmem:$0x2A0] =	vst v0  }
0x10: {  	[tilespmem:$0x290] =	vst v0  }
0x11: {  	[tilespmem:$0x280] =	vst v0  }
0x12: {  	[tilespmem:$0x270] =	vst v0  }
0x13: {  	[tilespmem:$0x260] =	vst v0  }
0x14: {  	[tilespmem:$0x250] =	vst v0  }
0x15: {  	[tilespmem:$0x240] =	vst v0  }
0x16: {  	[tilespmem:$0x230] =	vst v0  }
0x17: {  	[tilespmem:$0x220] =	vst v0  }
0x18: {  	[tilespmem:$0x210] =	vst v0  }
0x19: {  	[tilespmem:$0x200] =	vst v0  }
0x1a: {  	[tilespmem:$0x1F0] =	vst v0  }
0x1b: {  	[tilespmem:$0x1E0] =	vst v0  }
0x1c: {  	[tilespmem:$0x180] =	vst v0  }
0x1d: {  	[tilespmem:$0x170] =	vst v0  }
0x1e: {  	[tilespmem:$0x160] =	vst v0  }
0x1f: {  	[tilespmem:$0x150] =	vst v0  }
0x20: {  	[tilespmem:$0x140] =	vst v0  }
0x21: {  	s9 =	stileid.u32;
	[tilespmem:$0x130] =	vst v0  }
0x22: {  	s3 =	sshll.u32 s9, $0x9;
	[tilespmem:$0x120] =	vst v0  }
0x23: {  	s5 =	simm.s32 $0x100;
	s4 =	sadd.s32 s3, s1;
	s3 =	simm.s32 $0x1;
	[tilespmem:$0x110] =	vst v0  }
0x24: {  	[spmem:s4] =	stream.linear.scatter [tilespmem:s5], [sflag:$0x1], $0x200, $0x38;
	[tilespmem:$0x500] =	vst v63  }
0x25: {  	_ =	swait.ge [sflag:s3], $0x200  }
0x26: {  	[sflag:s3] =	ssyncset.done $0x0  }
0x27: {  	v1 =	vimm.f32 $1.000000000e+00;
	[sflag:s3] =	ssyncadd.s32 $0xFFFFFE00  }
0x28: {  	s6 =	srdreg.scid;
	[tilespmem:$0xF0] =	vst v1  }
0x29: {  	s8 =	sand.u32 $0x1, s6;
	[tilespmem:$0xE0] =	vst v1  }
0x2a: {  	s6 =	sshll.u32 s8, $0x4;
	s30 =	ssub.s32 $0x2, s8;
	[tilespmem:$0xD0] =	vst v1  }
0x2b: {  	s10 =	sshll.u32 s9, $0x5;
	s6 =	sadd.s32 s6, s7;
	s11 =	sshrl.u32 s30, $0x1;
	[tilespmem:$0xC0] =	vst v1  }
0x2c: {  	s6 =	sadd.s32 s10, s6;
	s10 =	ssub.s32 s30, s11;
	[tilespmem:$0xB0] =	vst v1  }
0x2d: {  	s10 =	smax.u32 s10, $0x1;
	[tilespmem:$0xA0] =	vst v1  }
0x2e: {  	s10 =	sadd.s32 $0xFFFFFFFF, s10;
	[tilespmem:$0x90] =	vst v1  }
0x2f: {  	s6 =	sadd.s32 $0x10000, s6;
	[tilespmem:$0x80] =	vst v1;
	p1 =	sne.s32 s10, $0x0  }
0x30: {  	[tilespmem:s2], [sflag:$0x1] =	stream.linear.gather [hbm4b:s6+s2], $0x80, $0x38;
	[tilespmem:$0x500] =	vst v63  }
.Ltmp0:
0x31: {  	_ =	swait.ge [sflag:s3], $0x80;
	(pc) =	sbr.rel @!p1 .LBB2_2-.Ltmp0, $4  }
0x32: {  	p0 =	sne.s32 s9, $0x0;
	s31 =	sshll.u32 s8, $0xA;
	[sflag:s3] =	ssyncset.done $0x0  }
0x33: {  	s8 =	simm.s32 $0x80;
	s7 =	sadd.s32 s31, s7;
	[sflag:s3] =	ssyncadd.s32 $0xFFFFFF80  }
0x34: {  	s9 =	sshrl.u32 @!p0 s1, $0x3;
	s7 =	sadd.s32 $0x18200, s7;
	[bflag:$0x0] =	sbarrier.arrive $0xFFFF  }
0x35: {  	[spmem:s1] =	stream.indirect.scatter.add.f32 [tilespmem:s8], [sflag:$0x1], $0x1, s2, s8, $0xb8;
	[tilespmem:$0x500] =	vst v63  }
.LBB2_1:
0x36: {  	s10 =	sadd.s32 $0xFFFFFFFF, s10;
	_ =	swait.ge [sflag:s3], $0x80  }
0x37: {  	p1 =	sne.s32 s10, $0x0;
	[sflag:s3] =	ssyncset.done $0x0  }
0x38: {  	s11 =	simm.s32 @!p0 $0x1C01;
	[sflag:s3] =	ssyncadd.s32 $0xFFFFFF80  }
0x39: {  	s12 =	simm.s32 @!p0 $0x1;
	[bflag:$0x0] =	sbarrier.arrive $0xFFFF  }
0x3a: {  	[hbm:s7], [sflag:s11] =	dma.local @!p0 [spmem:s9], $0x400  }
0x3b: {  	_ =	swait.ge @!p0 [sflag:s12], $0x400  }
0x3c: {  	[sflag:s12] =	ssyncset.done @!p0 $0x0  }
0x3d: {  	[sflag:s12] =	ssyncadd.s32 @!p0 $0xFFFFFC00  }
0x3e: {  	[tilespmem:$0x190] =	vst v0  }
0x3f: {  	[tilespmem:$0x1A0] =	vst v0  }
0x40: {  	[tilespmem:$0x1B0] =	vst v0  }
0x41: {  	[tilespmem:$0x1C0] =	vst v0  }
0x42: {  	[tilespmem:$0x1D0] =	vst v0  }
0x43: {  	[tilespmem:$0x100] =	vst v0  }
0x44: {  	[tilespmem:$0x2F0] =	vst v0  }
0x45: {  	[tilespmem:$0x2E0] =	vst v0  }
0x46: {  	[tilespmem:$0x2D0] =	vst v0  }
0x47: {  	[tilespmem:$0x2C0] =	vst v0  }
0x48: {  	[tilespmem:$0x2B0] =	vst v0  }
0x49: {  	[tilespmem:$0x2A0] =	vst v0  }
0x4a: {  	[tilespmem:$0x290] =	vst v0  }
0x4b: {  	[tilespmem:$0x280] =	vst v0  }
0x4c: {  	[tilespmem:$0x270] =	vst v0  }
0x4d: {  	[tilespmem:$0x260] =	vst v0  }
0x4e: {  	[tilespmem:$0x250] =	vst v0  }
0x4f: {  	[tilespmem:$0x240] =	vst v0  }
0x50: {  	[tilespmem:$0x230] =	vst v0  }
0x51: {  	[tilespmem:$0x220] =	vst v0  }
0x52: {  	[tilespmem:$0x210] =	vst v0  }
0x53: {  	[tilespmem:$0x200] =	vst v0  }
0x54: {  	[tilespmem:$0x1F0] =	vst v0  }
0x55: {  	[tilespmem:$0x1E0] =	vst v0  }
0x56: {  	[tilespmem:$0x180] =	vst v0  }
0x57: {  	[tilespmem:$0x170] =	vst v0  }
0x58: {  	[tilespmem:$0x160] =	vst v0  }
0x59: {  	[tilespmem:$0x150] =	vst v0  }
0x5a: {  	[tilespmem:$0x140] =	vst v0  }
0x5b: {  	[tilespmem:$0x130] =	vst v0  }
0x5c: {  	[tilespmem:$0x120] =	vst v0  }
0x5d: {  	[tilespmem:$0x110] =	vst v0  }
0x5e: {  	[spmem:s4] =	stream.linear.scatter [tilespmem:s5], [sflag:$0x1], $0x200, $0x38;
	[tilespmem:$0x500] =	vst v63  }
0x5f: {  	_ =	swait.ge [sflag:s3], $0x200  }
0x60: {  	[sflag:s3] =	ssyncset.done $0x0  }
0x61: {  	[sflag:s3] =	ssyncadd.s32 $0xFFFFFE00  }
0x62: {  	[tilespmem:$0xF0] =	vst v1  }
0x63: {  	[tilespmem:$0xE0] =	vst v1  }
0x64: {  	[tilespmem:$0xD0] =	vst v1  }
0x65: {  	[tilespmem:$0xC0] =	vst v1  }
0x66: {  	[tilespmem:$0xB0] =	vst v1  }
0x67: {  	[tilespmem:$0xA0] =	vst v1  }
0x68: {  	[tilespmem:$0x90] =	vst v1  }
0x69: {  	[tilespmem:$0x80] =	vst v1  }
0x6a: {  	[tilespmem:s2], [sflag:$0x1] =	stream.linear.gather [hbm4b:s6+s2], $0x80, $0x38;
	[tilespmem:$0x500] =	vst v63  }
.Ltmp1:
0x6b: {  	_ =	swait.ge [sflag:s3], $0x80;
	(pc) =	sbr.rel @p1 .LBB2_1-.Ltmp1, $4  }
0x6c: {  	[sflag:s3] =	ssyncset.done $0x0  }
0x6d: {  	[sflag:s3] =	ssyncadd.s32 $0xFFFFFF80  }
0x6e: {  	[bflag:$0x0] =	sbarrier.arrive $0xFFFF  }
0x6f: {  	[spmem:s1] =	stream.indirect.scatter.add.f32 [tilespmem:s8], [sflag:$0x1], $0x1, s2, s8, $0xb8;
	[tilespmem:$0x500] =	vst v63  }
.LBB2_2:
0x70: {  	_ =	swait.ge [sflag:s3], $0x80  }
0x71: {  	[sflag:s3] =	ssyncset.done $0x0  }
0x72: {  	[sflag:s3] =	ssyncadd.s32 $0xFFFFFF80  }
0x73: {  	s1 =	simm.s32 @!p0 $0x1C01;
	s2 =	simm.s32 @!p0 $0x1;
	[bflag:$0x0] =	sbarrier.arrive $0xFFFF  }
0x74: {  	[hbm:s7], [sflag:s1] =	dma.local @!p0 [spmem:s9], $0x400  }
0x75: {  	_ =	swait.ge @!p0 [sflag:s2], $0x400  }
0x76: {  	[sflag:s2] =	ssyncset.done @!p0 $0x0  }
0x77: {  	[sflag:s2] =	ssyncadd.s32 @!p0 $0xFFFFFC00  }
0x78: {  	_ =	sfence.sel $0x180000  }
0x79: {  	[bflag:$0x0] =	sbarrier.arrive $0xFFFF  }
0x7a: {  	_ =	strace $0x9000004A  }
0x7b: {  	s0 =	sadd.s32 @!p0 $0x100000, s0;
	[bflag:$0x2] =	sbarrier.arrive $0xFFFF  }
0x7c: {  	[sflag:s0] =	ssyncadd.tile.s32 @!p0 $0x1;
	_ =	shalt  }
.Lfunc_end2:
_tile_overlayer_lowered:
.L_overlay_start_2:
0x7d: {  	(tag) =	ssettag $0x2  }
0x7e: {  	s0 =	rddreg [dreg:$0x0];
	s2 =	stileid.u32  }
0x7f: {  	s1 =	rddreg [dreg:$0x1];
	p0 =	sne.s32 s2, $0x0  }
0x80: {  	s3 =	rddreg [dreg:$0x2];
	[bflag:$0x3] =	sbarrier.arrive $0xFFFF;
	s2 =	simm.s32 @!p0 $0x1C01  }
0x81: {  	[timem:s3], [sflag:s2] =	dma.local @!p0 [hbm:s0], s1  }
0x82: {  	s0 =	simm.s32 @!p0 $0x1  }
0x83: {  	_ =	swait.ge @!p0 [sflag:s0], s1  }
0x84: {  	s1 =	ssub.s32 @!p0 $0x0, s1;
	[sflag:s0] =	ssyncset.done @!p0 $0x0  }
0x85: {  	[sflag:s0] =	ssyncadd.s32 @!p0 s1  }
0x86: {  	[bflag:$0x3] =	sbarrier.arrive $0xFFFF  }
0x87: {  	_ =	shalt  }

// kernel: kernel.14.cloned.1.call-start
scs
__scs_entry_jumppad:
0x0: {  	(pc) =	sbr.rel $0x88, $3  }
0x1: {  	(tag) =	ssettag $0x0;
	lr =	simm.s32 $0x1  }
0x2: {  	[smem:$0x3F9E] =	sst lr;
	_ =	strace $0xD0000000  }
0x3: {  	_ = 	snop  }
0x4: {  	_ = 	snop  }
0x5: {  	_ = 	snop  }
0x6: {  	_ = 	snop  }
0x7: {  	_ = 	snop  }
__scs_overlays_trampoline_lowered:
0x8: {  	[smem:$0x3FAD] =	sst s0  }
0x9: {  	[smem:$0x3FAE] =	sst s1  }
0xa: {  	[smem:$0x3FAF] =	sst s2  }
0xb: {  	[smem:$0x3FB0] =	sst s3  }
0xc: {  	[smem:$0x3FB1] =	sst s4  }
0xd: {  	[smem:$0x3FB2] =	sst s5  }
0xe: {  	[smem:$0x3FB3] =	sst s6  }
0xf: {  	[smem:$0x3FB4] =	sst s7  }
0x10: {  	[smem:$0x3FB5] =	sst s8  }
0x11: {  	[smem:$0x3FB6] =	sst s9;
	s0 =	simm.s32 @!p0 $0x0  }
0x12: {  	s1 =	sld [smem:$0x3F9C];
	s0 =	simm.s32 @p0 $0x1  }
0x13: {  	[smem:$0x3FB7] =	sst s0;
	s0 =	simm.s32 @!p1 $0x0  }
0x14: {  	s2 =	sld [smem:$0x3F9B];
	s0 =	simm.s32 @p1 $0x1  }
0x15: {  	[smem:$0x3FB8] =	sst s0;
	s0 =	simm.s32 @!p2 $0x0  }
0x16: {  	s3 =	sld [smem:$0x3FDB];
	s0 =	simm.s32 @p2 $0x1  }
0x17: {  	s4 =	simm.s32 $0x1BF5;
	[smem:$0x3FBA] =	sst s0  }
0x18: {  	s0 =	sld [smem:$0x3F9D];
	_ =	swait.ge [sflag:s4], $0x0  }
0x19: {  	s7 =	sld [smem:$0x3F9E]  }
0x1a: {  	s8 =	sadd.s32 $0xFFFFE003, lr  }
0x1b: {  	s9 =	sadd.s32 $0xFFFFFEF7, lr;
	s5 =	simm.s32 $0xFFFFFFFF;
	p2 =	slt.u32 s8, $0xFFFFF086  }
0x1c: {  	p1 =	slt.u32 s9, $0xF7A;
	s5 =	simm.s32 @!p2 $0x0  }
0x1d: {  	s5 =	simm.s32 @p1 $0x1;
	p0 =	seq.s32 s7, s2  }
0x1e: {  	s7 =	smul.u32 @!p0 $0xF7A, s2;
	p2 =	seq.s32 @!p0 s5, $0x0  }
0x1f: {  	s9 =	smul.u32 $0xF7A, s1;
	s8 =	simm.s32 @!p0 $0x1BF5;
	p2 =	por !p2, p0  }
0x20: {  	[sflag:s8] =	ssyncset.s32 @!p0 $0xFFFFF086;
	s6 =	sadd.s32 @!p0 s3, s7;
	s7 =	simm.s32 @!p0 $0x108  }
0x21: {  	s3 =	sadd.s32 s3, s9;
	s6 =	sadd.s32 @!p0 $0x88, s6;
	s7 =	simm.s32 @p2 $0x1082  }
0x22: {  	[simem:s7], [sflag:s8] =	dma.local @!p0 [hbm:s6], $0xF7A  }
0x23: {  	s9 =	sor.u32 $0xD0000000, s2;
	s6 =	simm.s32 $0x108;
	_ =	swait.ge @!p0 [sflag:s8], $0x0  }
0x24: {  	s3 =	sadd.s32 $0x88, s3;
	s6 =	simm.s32 @!p1 $0x1082;
	[sflag:s4] =	ssyncset.s32 $0xFFFFF086  }
0x25: {  	[simem:s6], [sflag:s4] =	dma.local [hbm:s3], $0xF7A  }
0x26: {  	[smem:$0x3F9E] =	sst s1;
	(tag) =	ssettag s2;
	_ =	strace s9  }
0x27: {  	s1 =	sld [smem:$0x3FAE]  }
0x28: {  	s2 =	sld [smem:$0x3FAF]  }
0x29: {  	s4 =	sld [smem:$0x3FB1]  }
0x2a: {  	p0 =	seq.s32 s5, $0x0;
	s5 =	sld [smem:$0x3FB2]  }
0x2b: {  	s6 =	sld [smem:$0x3FB3]  }
0x2c: {  	s7 =	sld [smem:$0x3FB4]  }
0x2d: {  	s3 =	simm.s32 $0x108;
	s8 =	sld [smem:$0x3FB5]  }
0x2e: {  	s3 =	simm.s32 @!p0 $0x1082;
	s9 =	sld [smem:$0x3FB6]  }
0x2f: {  	lr =	sadd.s32 s0, s3;
	s0 =	sld [smem:$0x3FAD]  }
0x30: {  	s3 =	sld [smem:$0x3FB0]  }
0x31: {  	[smem:$0x3FB9] =	sst s10  }
0x32: {  	s10 =	sld [smem:$0x3FB7];
	_ =	sdelay $0x3  }
0x33: {  	p0 =	seq.s32 s10, $0x1;
	s10 =	sld [smem:$0x3FB9];
	_ =	sdelay $0x3  }
0x34: {  	[smem:$0x3FB9] =	sst s10  }
0x35: {  	s10 =	sld [smem:$0x3FB8];
	_ =	sdelay $0x3  }
0x36: {  	p1 =	seq.s32 s10, $0x1;
	s10 =	sld [smem:$0x3FB9];
	_ =	sdelay $0x3  }
0x37: {  	[smem:$0x3FB9] =	sst s10  }
0x38: {  	s10 =	sld [smem:$0x3FBA]  }
0x39: {  	_ = 	snop;
	(pc) =	sbr.ind lr, $3  }
0x3a: {  	_ = 	snop  }
0x3b: {  	_ = 	snop  }
0x3c: {  	p2 =	seq.s32 s10, $0x1;
	s10 =	sld [smem:$0x3FB9]  }
0x3d: {  	_ =	shalt  }
0x3e: {  	_ =	shalt  }
0x3f: {  	_ =	shalt  }
0x40: {  	_ =	shalt  }
0x41: {  	_ =	shalt  }
0x42: {  	_ =	shalt  }
0x43: {  	_ =	shalt  }
0x44: {  	_ =	shalt  }
0x45: {  	_ =	shalt  }
0x46: {  	_ =	shalt  }
0x47: {  	_ =	shalt  }
0x48: {  	_ =	shalt  }
0x49: {  	_ =	shalt  }
0x4a: {  	_ =	shalt  }
0x4b: {  	_ =	shalt  }
0x4c: {  	_ =	shalt  }
0x4d: {  	_ =	shalt  }
0x4e: {  	_ =	shalt  }
0x4f: {  	_ =	shalt  }
0x50: {  	_ =	shalt  }
0x51: {  	_ =	shalt  }
0x52: {  	_ =	shalt  }
0x53: {  	_ =	shalt  }
0x54: {  	_ =	shalt  }
0x55: {  	_ =	shalt  }
0x56: {  	_ =	shalt  }
0x57: {  	_ =	shalt  }
0x58: {  	_ =	shalt  }
0x59: {  	_ =	shalt  }
0x5a: {  	_ =	shalt  }
0x5b: {  	_ =	shalt  }
0x5c: {  	_ =	shalt  }
0x5d: {  	_ =	shalt  }
0x5e: {  	_ =	shalt  }
0x5f: {  	_ =	shalt  }
0x60: {  	_ =	shalt  }
0x61: {  	_ =	shalt  }
0x62: {  	_ =	shalt  }
0x63: {  	_ =	shalt  }
0x64: {  	_ =	shalt  }
0x65: {  	_ =	shalt  }
0x66: {  	_ =	shalt  }
0x67: {  	_ =	shalt  }
0x68: {  	_ =	shalt  }
0x69: {  	_ =	shalt  }
0x6a: {  	_ =	shalt  }
0x6b: {  	_ =	shalt  }
0x6c: {  	_ =	shalt  }
0x6d: {  	_ =	shalt  }
0x6e: {  	_ =	shalt  }
0x6f: {  	_ =	shalt  }
0x70: {  	_ =	shalt  }
0x71: {  	_ =	shalt  }
0x72: {  	_ =	shalt  }
0x73: {  	_ =	shalt  }
0x74: {  	_ =	shalt  }
0x75: {  	_ =	shalt  }
0x76: {  	_ =	shalt  }
0x77: {  	_ =	shalt  }
0x78: {  	_ =	shalt  }
0x79: {  	_ =	shalt  }
0x7a: {  	_ =	shalt  }
0x7b: {  	_ =	shalt  }
0x7c: {  	_ =	shalt  }
0x7d: {  	_ =	shalt  }
0x7e: {  	_ =	shalt  }
0x7f: {  	_ =	shalt  }
0x80: {  	_ =	shalt  }
0x81: {  	_ =	shalt  }
0x82: {  	_ =	shalt  }
0x83: {  	_ =	shalt  }
0x84: {  	_ =	shalt  }
0x85: {  	_ =	shalt  }
0x86: {  	_ =	shalt  }
0x87: {  	_ =	shalt  }
.Lfunc_end0:
.L_simem_size_0:
called_computation.2_lowered:
.L_overlay_start_0:
0x88: {  	s2 =	sld [smem:$0x3FD9]  }
0x89: {  	s3 =	sld [smem:$0x3FFE];
	_ =	sdelay $0x1  }
0x8a: {  	s1 =	srdreg.scid  }
0x8b: {  	s0 =	sand.u32 $0x1, s1  }
0x8c: {  	s15 =	sshll.u32 s0, $0xA;
	s2 =	sadd.s32 s3, s2  }
0x8d: {  	s2 =	sadd.s32 s2, s15  }
0x8e: {  	[smem:$0x3FC5] =	sst s2  }
0x8f: {  	_ = 	snop  }
0x90: {  	s2 =	sld [smem:$0x3FD0];
	_ =	sdelay $0x2  }
0x91: {  	s4 =	simm.s32 $0xC;
	s16 =	simm.s32 $0x10  }
0x92: {  	[smem:s16], [sflag:s4] =	dma.local [hbm:s2], $0x1  }
0x93: {  	_ =	swait.eq [sflag:s4], $0x1  }
0x94: {  	[sflag:s4] =	ssyncset.done $0x0  }
0x95: {  	s17 =	sld [smem:$0x10];
	[sflag:s4] =	ssyncadd.s32 $0xFFFFFFFF  }
0x96: {  	s18 =	sld [smem:$0x13];
	(tm) =	ssettm $0x1  }
0x97: {  	s19 =	sld [smem:$0x3FFB];
	_ =	sdelay $0x3  }
0x98: {  	_ =	strace s19  }
0x99: {  	s2 =	sld [smem:$0x3FFC];
	_ =	sdelay $0x3  }
0x9a: {  	_ =	strace s2  }
0x9b: {  	s2 =	sld [smem:$0x3FFD];
	_ =	sdelay $0x3  }
0x9c: {  	_ =	strace s2  }
0x9d: {  	_ =	strace $0x8FFFFFFF  }
0x9e: {  	s20 =	sld [smem:$0x3FDB];
	_ =	sdelay $0x1  }
0x9f: {  	s5 =	simm.s32 $_scs_section_size  }
0xa0: {  	s6 =	simm.s32 $_size__tile_overlayer_lowered;
	s7 =	simm.s32 $_tile_overlayer_lowered  }
0xa1: {  	s8 =	simm.s32 $0x1BFF;
	s21 =	sshll.u32 s7, $0x1;
	s5 =	sadd.s32 s5, s20  }
0xa2: {  	s22 =	simm.s32 $0x0;
	s6 =	sshll.u32 s6, $0x1;
	s7 =	sadd.s32 s21, s5  }
0xa3: {  	[timem:s22], [sflag:s8] =	dma.local [hbm:s7], s6  }
0xa4: {  	_ =	swait.ge [sflag:s8], s6  }
0xa5: {  	s6 =	ssub.s32 $0x0, s6;
	[sflag:s8] =	ssyncset.done $0x0  }
0xa6: {  	[sflag:s8] =	ssyncadd.s32 s6;
	_ =	sdelay $0x1  }
0xa7: {  	s23 =	simm.s32 $0x1B8B  }
0xa8: {  	_ =	swait.ge [sflag:s23], $0x1  }
0xa9: {  	[sflag:s23] =	ssyncset.done $0x0  }
0xaa: {  	[sflag:s23] =	ssyncadd.s32 $0xFFFFFFFF  }
0xab: {  	s6 =	sld [smem:$0x0]  }
0xac: {  	s7 =	sand.u32 $0xFFFFFFFE, s1  }
0xad: {  	p0 =	sne.s32 s1, s7  }
0xae: {  	s7 =	sshll.u32 @p0 s7, $0xE  }
0xaf: {  	s7 =	sadd.s32 @p0 $0x11B8D, s7;
	s8 =	sshll.u32 @p0 s6, $0x11  }
0xb0: {  	s7 =	sor.u32 @p0 s8, s7  }
0xb1: {  	[sflag:s7] =	ssyncadd.remote.s32 @p0 $0x1;
	_ =	sdelay $0x1  }
0xb2: {  	s7 =	simm.s32 @p0 $0x1B8D  }
0xb3: {  	_ =	swait.eq @p0 [sflag:s7], $0x1  }
0xb4: {  	[sflag:s7] =	ssyncadd.s32 @p0 $0xFFFFFFFF  }
0xb5: {  	s8 =	sshll.u32 @!p0 s1, $0xE  }
0xb6: {  	s8 =	sor.u32 @!p0 $0x4000, s8;
	s7 =	simm.s32 @!p0 $0x1B8D  }
0xb7: {  	s6 =	sshll.u32 @!p0 s6, $0x11;
	s8 =	sadd.s32 @!p0 $0x11B8D, s8;
	_ =	swait.eq @!p0 [sflag:s7], $0x1  }
0xb8: {  	s6 =	sor.u32 @!p0 s6, s8;
	[sflag:s7] =	ssyncadd.s32 @!p0 $0xFFFFFFFF  }
0xb9: {  	s25 =	simm.s32 $0x1B8E;
	s24 =	sld [smem:$0x3FFE];
	[sflag:s6] =	ssyncadd.remote.s32 @!p0 $0x1  }
0xba: {  	s26 =	simm.s32 $execute0_lowered;
	[smem:$0x3FD2] =	sst s25  }
0xbb: {  	s7 =	sshll.u32 s26, $0x1;
	_ =	strace $0x8000004F;
	[dreg:$0x1] =	wrdreg $0xFFFFFFFF  }
0xbc: {  	s28 =	simm.s32 $_size_execute0_lowered;
	s5 =	sadd.s32 s5, s7;
	[dreg:$0x0] =	wrdreg $0x0  }
0xbd: {  	s7 =	sshll.u32 s28, $0x1;
	[dreg:$0x2] =	wrdreg s5  }
0xbe: {  	[dreg:$0x3] =	wrdreg s7  }
0xbf: {  	[dreg:$0x4] =	wrdreg $0xC0  }
0xc0: {  	_ =	task [dreg:s22], $0x5FFFF  }
0xc1: {  	[dreg:$0x1] =	wrdreg $0xFFFFFFFF  }
0xc2: {  	[dreg:$0x0] =	wrdreg $0x60  }
0xc3: {  	[dreg:$0x2] =	wrdreg s24  }
0xc4: {  	[dreg:$0x3] =	wrdreg s18  }
0xc5: {  	[dreg:$0x4] =	wrdreg s17  }
0xc6: {  	[dreg:$0x5] =	wrdreg $0xA  }
0xc7: {  	_ =	task.clear_ibuf [dreg:s22], $0x6FFFF;
	_ =	strace $0x9000004F  }
0xc8: {  	s29 =	simm.s32 $0xA;
	_ =	strace $0x80000051  }
0xc9: {  	_ =	swait.ge [sflag:s29], $0x1  }
0xca: {  	[sflag:s29] =	ssyncadd.s32 $0xFFFFFFFF  }
0xcb: {  	_ =	strace $0x90000051  }
0xcc: {  	_ =	sfence  }
0xcd: {  	s30 =	sld [smem:$0x0];
	_ =	sdelay $0x2  }
0xce: {  	s31 =	sshll.u32 s1, $0xD;
	s1 =	sshrl.u32 s1, $0x2  }
0xcf: {  	s4 =	sand.u32 $0x4000, s31;
	s1 =	sadd.s32 s1, s30  }
0xd0: {  	s0 =	sor.u32 s4, s0;
	s1 =	sshll.u32 s1, $0x11  }
0xd1: {  	s0 =	sor.u32 s1, s0  }
0xd2: {  	s0 =	sadd.s32 $0x8F2B, s0  }
0xd3: {  	[sflag:s0] =	ssyncadd.remote.s32 $0x1  }
0xd4: {  	_ =	sfence.sel $0xFFFF  }
0xd5: {  	[dreg:$0x0] =	wrdreg $0xFFFFFFFF;
	(pc) =	sbr.abs _section_cstart, $3  }
0xd6: {  	[dreg:$0x1] =	wrdreg $0xFFFFFFFF  }
0xd7: {  	_ =	task.clear_ibuf [dreg:s22], $0x2FFFF;
	_ =	strace $0x9FFFFFFF  }
0xd8: {  	(tm) =	ssettm $0x7FFFFFFF  }
0xd9: {  	_ =	shalt  }
tec
execute0_lowered:
.L_overlay_start_1:
0x0: {  	(tag) =	ssettag $0x1  }
0x1: {  	s4 =	rddreg [dreg:$0x0]  }
0x2: {  	s6 =	rddreg [dreg:$0x1]  }
0x3: {  	s8 =	rddreg [dreg:$0x2]  }
0x4: {  	s0 =	rddreg [dreg:$0x3];
	s3 =	srdreg.scid  }
0x5: {  	s2 =	simm.s32 $0x0;
	s1 =	stileid.u32;
	s12 =	simm.s32 $0x1  }
0x6: {  	s13 =	simm.s32 $0x2080;
	s14 =	simm.s32 $0x4080;
	s15 =	simm.s32 $0x0  }
0x7: {  	s3 =	sand.u32 $0x1, s3;
	[smem:$0x7FF] =	sst s2;
	s5 =	sshll.u32 s1, $0x8  }
0x8: {  	s7 =	sshll.u32 s3, $0x7;
	_ =	strace $0x80000050;
	s31 =	ssub.s32 $0x2, s3  }
0x9: {  	s3 =	sadd.s32 $0x18A00, s4;
	s5 =	sor.u32 s7, s5;
	s10 =	sshrl.u32 s31, $0x1  }
0xa: {  	s9 =	sshll.u32 s5, $0x3;
	s10 =	ssub.s32 s31, s10;
	s5 =	sshrl.u32 s5, $0x3  }
0xb: {  	s11 =	sadd.s32 s9, s4;
	s4 =	sadd.s32 s4, s5;
	s6 =	sadd.s32 s6, s9  }
0xc: {  	s8 =	sadd.s32 s8, s9;
	s9 =	smax.u32 s10, $0x1;
	s10 =	simm.s32 $0x2  }
0xd: {  	s5 =	sadd.s32 $0xA00, s11;
	s7 =	sadd.s32 $0x10200, s11;
	s11 =	simm.s32 $0x80  }
.LBB2_1:
0xe: {  	[tilespmem:s2], [sflag:$0x2] =	stream.linear.gather [hbm4b:s4+s2], $0x80, $0x38;
	[tilespmem:$0x6080] =	vst v63  }
0xf: {  	_ =	swait.ge [sflag:s10], $0x80  }
0x10: {  	[sflag:s10] =	ssyncset.done $0x0  }
0x11: {  	[sflag:s10] =	ssyncadd.s32 $0xFFFFFF80  }
0x12: {  	[tilespmem:s11], [sflag:$0x1] =	stream.indirect.gather [hbm4b:s3+s11], $0x40, s2, s11, $0xb8;
	[tilespmem:$0x6080] =	vst v63  }
0x13: {  	_ =	swait.ge [sflag:s12], $0x2000  }
0x14: {  	[sflag:s12] =	ssyncset.done $0x0  }
0x15: {  	[sflag:s12] =	ssyncadd.s32 $0xFFFFE000  }
0x16: {  	[hbm4b:s5+s2] =	stream.linear.scatter [tilespmem:s11], [sflag:$0x2], $0x2000, $0x38;
	[tilespmem:$0x6080] =	vst v63  }
0x17: {  	_ =	swait.ge [sflag:s10], $0x2000  }
0x18: {  	[sflag:s10] =	ssyncset.done $0x0  }
0x19: {  	[sflag:s10] =	ssyncadd.s32 $0xFFFFE000  }
0x1a: {  	[tilespmem:s13], [sflag:$0x2] =	stream.linear.gather [hbm4b:s6+s2], $0x2000, $0x38;
	[tilespmem:$0x6080] =	vst v63  }
0x1b: {  	_ =	swait.ge [sflag:s10], $0x2000  }
0x1c: {  	[sflag:s10] =	ssyncset.done $0x0  }
0x1d: {  	[sflag:s10] =	ssyncadd.s32 $0xFFFFE000  }
0x1e: {  	[tilespmem:s14], [sflag:$0x2] =	stream.linear.gather [hbm4b:s7+s2], $0x2000, $0x38;
	[tilespmem:$0x6080] =	vst v63  }
0x1f: {  	_ =	swait.ge [sflag:s10], $0x2000  }
0x20: {  	[sflag:s10] =	ssyncset.done $0x0  }
0x21: {  	s16 =	simm.s32 $0x0;
	[sflag:s10] =	ssyncadd.s32 $0xFFFFE000  }
0x22: {  	v0 =	vld [tilespmem:s16+$0x2080]  }
0x23: {  	v1 =	vld [tilespmem:s16+$0x2090]  }
0x24: {  	v5 =	vld [tilespmem:s16+$0x4080]  }
0x25: {  	v4 =	vld [tilespmem:s16+$0x4090]  }
0x26: {  	v3 =	vld [tilespmem:s16+$0x40A0]  }
0x27: {  	v2 =	vld [tilespmem:s16+$0x40B0]  }
0x28: {  	v7 =	vld [tilespmem:s16+$0x80]  }
0x29: {  	v8 =	vld [tilespmem:s16+$0x90]  }
0x2a: {  	s17 =	simm.s32 $0x100;
	v6 =	vld [tilespmem:s16+$0xA0]  }
.LBB2_2:
0x2b: {  	p0 =	sne.s32 s17, $0x7F00;
	v9 =	vld [tilespmem:s16+$0xB0]  }
0x2c: {  	v10 =	vld [tilespmem:s16+$0x20A0]  }
0x2d: {  	s18 =	sshra.s32 s17, $0x2;
	v5 =	vadd.f32 v7, v5;
	v11 =	vld [tilespmem:s16+$0x20B0]  }
0x2e: {  	v7 =	vld [tilespmem:s18+$0x2080];
	v4 =	vadd.f32 v8, v4  }
0x2f: {  	v8 =	vld [tilespmem:s18+$0x2090];
	v12 =	vsub.f32 v5, v0;
	v3 =	vadd.f32 v6, v3  }
0x30: {  	v5 =	vld [tilespmem:s18+$0x4080];
	v6 =	vsub.f32 v4, v1;
	v2 =	vadd.f32 v9, v2  }
0x31: {  	v4 =	vld [tilespmem:s18+$0x4090];
	v12 =	vadd.f32 v12, v0;
	v9 =	vsub.f32 v3, v10  }
.Ltmp0:
0x32: {  	v3 =	vld [tilespmem:s18+$0x40A0];
	v13 =	vadd.f32 v6, v1;
	v6 =	vsub.f32 v2, v11;
	(pc) =	sbr.rel @p0 .LBB2_2-.Ltmp0, $4  }
0x33: {  	v2 =	vld [tilespmem:s18+$0x40B0];
	[tilespmem:s16+$0x80] =	vst v12;
	v9 =	vadd.f32 v9, v10;
	v0 =	vmov v7  }
0x34: {  	v7 =	vld [tilespmem:s18+$0x80];
	[tilespmem:s16+$0x90] =	vst v13;
	v10 =	vadd.f32 v6, v11;
	v1 =	vmov v8  }
0x35: {  	v8 =	vld [tilespmem:s18+$0x90];
	[tilespmem:s16+$0xA0] =	vst v9  }
0x36: {  	s17 =	sadd.s32 $0x100, s17;
	v6 =	vld [tilespmem:s18+$0xA0];
	[tilespmem:s16+$0xB0] =	vst v10;
	s16 =	smov.u32 s18  }
0x37: {  	v9 =	vld [tilespmem:s16+$0xB0]  }
0x38: {  	v10 =	vld [tilespmem:s16+$0x20A0]  }
0x39: {  	v61 =	vld [tilespmem:s16+$0x20B0];
	v5 =	vadd.f32 v7, v5  }
0x3a: {  	v4 =	vadd.f32 v8, v4  }
0x3b: {  	v5 =	vsub.f32 v5, v0;
	v3 =	vadd.f32 v6, v3  }
0x3c: {  	v4 =	vsub.f32 v4, v1;
	v2 =	vadd.f32 v9, v2  }
0x3d: {  	v0 =	vadd.f32 v5, v0;
	v3 =	vsub.f32 v3, v10  }
0x3e: {  	v1 =	vadd.f32 v4, v1;
	v2 =	vsub.f32 v2, v61  }
0x3f: {  	[tilespmem:s16+$0x80] =	vst v0;
	v62 =	vadd.f32 v3, v10  }
0x40: {  	s15 =	sadd.s32 $0x1, s15;
	[tilespmem:s16+$0x90] =	vst v1;
	v63 =	vadd.f32 v2, v61  }
0x41: {  	p0 =	sne.s32 s15, s9;
	[tilespmem:s16+$0xA0] =	vst v62  }
.Ltmp1:
0x42: {  	[tilespmem:s16+$0xB0] =	vst v63;
	(pc) =	sbr.rel @p0 .LBB2_1-.Ltmp1, $4  }
0x43: {  	[hbm4b:s8+s2] =	stream.linear.scatter [tilespmem:s11], [sflag:$0x2], $0x2000, $0x38;
	[tilespmem:$0x6080] =	vst v63  }
0x44: {  	_ =	swait.ge [sflag:s10], $0x2000  }
0x45: {  	[sflag:s10] =	ssyncset.done $0x0  }
0x46: {  	[sflag:s10] =	ssyncadd.s32 $0xFFFFE000  }
0x47: {  	_ =	sfence.sel $0x180000  }
0x48: {  	[bflag:$0x0] =	sbarrier.arrive $0xFFFF  }
0x49: {  	p0 =	sne.s32 s1, $0x0;
	_ =	strace $0x90000050  }
0x4a: {  	s0 =	sadd.s32 @!p0 $0x100000, s0;
	[bflag:$0x2] =	sbarrier.arrive $0xFFFF  }
0x4b: {  	[sflag:s0] =	ssyncadd.tile.s32 @!p0 $0x1;
	_ =	shalt  }
.Lfunc_end2:
_tile_overlayer_lowered:
.L_overlay_start_2:
0x4c: {  	(tag) =	ssettag $0x2  }
0x4d: {  	s0 =	rddreg [dreg:$0x0];
	s2 =	stileid.u32  }
0x4e: {  	s1 =	rddreg [dreg:$0x1];
	p0 =	sne.s32 s2, $0x0  }
0x4f: {  	s3 =	rddreg [dreg:$0x2];
	[bflag:$0x3] =	sbarrier.arrive $0xFFFF;
	s2 =	simm.s32 @!p0 $0x1C02  }
0x50: {  	[timem:s3], [sflag:s2] =	dma.local @!p0 [hbm:s0], s1  }
0x51: {  	s0 =	simm.s32 @!p0 $0x2  }
0x52: {  	_ =	swait.ge @!p0 [sflag:s0], s1  }
0x53: {  	s1 =	ssub.s32 @!p0 $0x0, s1;
	[sflag:s0] =	ssyncset.done @!p0 $0x0  }
0x54: {  	[sflag:s0] =	ssyncadd.s32 @!p0 s1  }
0x55: {  	[bflag:$0x3] =	sbarrier.arrive $0xFFFF  }
0x56: {  	_ =	shalt  }

// kernel: kernel.17.cloned.1.call-start
scs
__scs_entry_jumppad:
0x0: {  	(pc) =	sbr.rel $0x88, $3  }
0x1: {  	(tag) =	ssettag $0x0;
	lr =	simm.s32 $0x1  }
0x2: {  	[smem:$0x3F9E] =	sst lr;
	_ =	strace $0xD0000000  }
0x3: {  	_ = 	snop  }
0x4: {  	_ = 	snop  }
0x5: {  	_ = 	snop  }
0x6: {  	_ = 	snop  }
0x7: {  	_ = 	snop  }
__scs_overlays_trampoline_lowered:
0x8: {  	[smem:$0x3FAD] =	sst s0  }
0x9: {  	[smem:$0x3FAE] =	sst s1  }
0xa: {  	[smem:$0x3FAF] =	sst s2  }
0xb: {  	[smem:$0x3FB0] =	sst s3  }
0xc: {  	[smem:$0x3FB1] =	sst s4  }
0xd: {  	[smem:$0x3FB2] =	sst s5  }
0xe: {  	[smem:$0x3FB3] =	sst s6  }
0xf: {  	[smem:$0x3FB4] =	sst s7  }
0x10: {  	[smem:$0x3FB5] =	sst s8  }
0x11: {  	[smem:$0x3FB6] =	sst s9;
	s0 =	simm.s32 @!p0 $0x0  }
0x12: {  	s1 =	sld [smem:$0x3F9C];
	s0 =	simm.s32 @p0 $0x1  }
0x13: {  	[smem:$0x3FB7] =	sst s0;
	s0 =	simm.s32 @!p1 $0x0  }
0x14: {  	s2 =	sld [smem:$0x3F9B];
	s0 =	simm.s32 @p1 $0x1  }
0x15: {  	[smem:$0x3FB8] =	sst s0;
	s0 =	simm.s32 @!p2 $0x0  }
0x16: {  	s3 =	sld [smem:$0x3FDB];
	s0 =	simm.s32 @p2 $0x1  }
0x17: {  	s4 =	simm.s32 $0x1BF5;
	[smem:$0x3FBA] =	sst s0  }
0x18: {  	s0 =	sld [smem:$0x3F9D];
	_ =	swait.ge [sflag:s4], $0x0  }
0x19: {  	s7 =	sld [smem:$0x3F9E]  }
0x1a: {  	s8 =	sadd.s32 $0xFFFFE003, lr  }
0x1b: {  	s9 =	sadd.s32 $0xFFFFFEF7, lr;
	s5 =	simm.s32 $0xFFFFFFFF;
	p2 =	slt.u32 s8, $0xFFFFF086  }
0x1c: {  	p1 =	slt.u32 s9, $0xF7A;
	s5 =	simm.s32 @!p2 $0x0  }
0x1d: {  	s5 =	simm.s32 @p1 $0x1;
	p0 =	seq.s32 s7, s2  }
0x1e: {  	s7 =	smul.u32 @!p0 $0xF7A, s2;
	p2 =	seq.s32 @!p0 s5, $0x0  }
0x1f: {  	s9 =	smul.u32 $0xF7A, s1;
	s8 =	simm.s32 @!p0 $0x1BF5;
	p2 =	por !p2, p0  }
0x20: {  	[sflag:s8] =	ssyncset.s32 @!p0 $0xFFFFF086;
	s6 =	sadd.s32 @!p0 s3, s7;
	s7 =	simm.s32 @!p0 $0x108  }
0x21: {  	s3 =	sadd.s32 s3, s9;
	s6 =	sadd.s32 @!p0 $0x88, s6;
	s7 =	simm.s32 @p2 $0x1082  }
0x22: {  	[simem:s7], [sflag:s8] =	dma.local @!p0 [hbm:s6], $0xF7A  }
0x23: {  	s9 =	sor.u32 $0xD0000000, s2;
	s6 =	simm.s32 $0x108;
	_ =	swait.ge @!p0 [sflag:s8], $0x0  }
0x24: {  	s3 =	sadd.s32 $0x88, s3;
	s6 =	simm.s32 @!p1 $0x1082;
	[sflag:s4] =	ssyncset.s32 $0xFFFFF086  }
0x25: {  	[simem:s6], [sflag:s4] =	dma.local [hbm:s3], $0xF7A  }
0x26: {  	[smem:$0x3F9E] =	sst s1;
	(tag) =	ssettag s2;
	_ =	strace s9  }
0x27: {  	s1 =	sld [smem:$0x3FAE]  }
0x28: {  	s2 =	sld [smem:$0x3FAF]  }
0x29: {  	s4 =	sld [smem:$0x3FB1]  }
0x2a: {  	p0 =	seq.s32 s5, $0x0;
	s5 =	sld [smem:$0x3FB2]  }
0x2b: {  	s6 =	sld [smem:$0x3FB3]  }
0x2c: {  	s7 =	sld [smem:$0x3FB4]  }
0x2d: {  	s3 =	simm.s32 $0x108;
	s8 =	sld [smem:$0x3FB5]  }
0x2e: {  	s3 =	simm.s32 @!p0 $0x1082;
	s9 =	sld [smem:$0x3FB6]  }
0x2f: {  	lr =	sadd.s32 s0, s3;
	s0 =	sld [smem:$0x3FAD]  }
0x30: {  	s3 =	sld [smem:$0x3FB0]  }
0x31: {  	[smem:$0x3FB9] =	sst s10  }
0x32: {  	s10 =	sld [smem:$0x3FB7];
	_ =	sdelay $0x3  }
0x33: {  	p0 =	seq.s32 s10, $0x1;
	s10 =	sld [smem:$0x3FB9];
	_ =	sdelay $0x3  }
0x34: {  	[smem:$0x3FB9] =	sst s10  }
0x35: {  	s10 =	sld [smem:$0x3FB8];
	_ =	sdelay $0x3  }
0x36: {  	p1 =	seq.s32 s10, $0x1;
	s10 =	sld [smem:$0x3FB9];
	_ =	sdelay $0x3  }
0x37: {  	[smem:$0x3FB9] =	sst s10  }
0x38: {  	s10 =	sld [smem:$0x3FBA]  }
0x39: {  	_ = 	snop;
	(pc) =	sbr.ind lr, $3  }
0x3a: {  	_ = 	snop  }
0x3b: {  	_ = 	snop  }
0x3c: {  	p2 =	seq.s32 s10, $0x1;
	s10 =	sld [smem:$0x3FB9]  }
0x3d: {  	_ =	shalt  }
0x3e: {  	_ =	shalt  }
0x3f: {  	_ =	shalt  }
0x40: {  	_ =	shalt  }
0x41: {  	_ =	shalt  }
0x42: {  	_ =	shalt  }
0x43: {  	_ =	shalt  }
0x44: {  	_ =	shalt  }
0x45: {  	_ =	shalt  }
0x46: {  	_ =	shalt  }
0x47: {  	_ =	shalt  }
0x48: {  	_ =	shalt  }
0x49: {  	_ =	shalt  }
0x4a: {  	_ =	shalt  }
0x4b: {  	_ =	shalt  }
0x4c: {  	_ =	shalt  }
0x4d: {  	_ =	shalt  }
0x4e: {  	_ =	shalt  }
0x4f: {  	_ =	shalt  }
0x50: {  	_ =	shalt  }
0x51: {  	_ =	shalt  }
0x52: {  	_ =	shalt  }
0x53: {  	_ =	shalt  }
0x54: {  	_ =	shalt  }
0x55: {  	_ =	shalt  }
0x56: {  	_ =	shalt  }
0x57: {  	_ =	shalt  }
0x58: {  	_ =	shalt  }
0x59: {  	_ =	shalt  }
0x5a: {  	_ =	shalt  }
0x5b: {  	_ =	shalt  }
0x5c: {  	_ =	shalt  }
0x5d: {  	_ =	shalt  }
0x5e: {  	_ =	shalt  }
0x5f: {  	_ =	shalt  }
0x60: {  	_ =	shalt  }
0x61: {  	_ =	shalt  }
0x62: {  	_ =	shalt  }
0x63: {  	_ =	shalt  }
0x64: {  	_ =	shalt  }
0x65: {  	_ =	shalt  }
0x66: {  	_ =	shalt  }
0x67: {  	_ =	shalt  }
0x68: {  	_ =	shalt  }
0x69: {  	_ =	shalt  }
0x6a: {  	_ =	shalt  }
0x6b: {  	_ =	shalt  }
0x6c: {  	_ =	shalt  }
0x6d: {  	_ =	shalt  }
0x6e: {  	_ =	shalt  }
0x6f: {  	_ =	shalt  }
0x70: {  	_ =	shalt  }
0x71: {  	_ =	shalt  }
0x72: {  	_ =	shalt  }
0x73: {  	_ =	shalt  }
0x74: {  	_ =	shalt  }
0x75: {  	_ =	shalt  }
0x76: {  	_ =	shalt  }
0x77: {  	_ =	shalt  }
0x78: {  	_ =	shalt  }
0x79: {  	_ =	shalt  }
0x7a: {  	_ =	shalt  }
0x7b: {  	_ =	shalt  }
0x7c: {  	_ =	shalt  }
0x7d: {  	_ =	shalt  }
0x7e: {  	_ =	shalt  }
0x7f: {  	_ =	shalt  }
0x80: {  	_ =	shalt  }
0x81: {  	_ =	shalt  }
0x82: {  	_ =	shalt  }
0x83: {  	_ =	shalt  }
0x84: {  	_ =	shalt  }
0x85: {  	_ =	shalt  }
0x86: {  	_ =	shalt  }
0x87: {  	_ =	shalt  }
.Lfunc_end0:
.L_simem_size_0:
called_computation.3_lowered:
.L_overlay_start_0:
0x88: {  	s2 =	sld [smem:$0x3FD9]  }
0x89: {  	s3 =	sld [smem:$0x3FFE];
	_ =	sdelay $0x1  }
0x8a: {  	s1 =	srdreg.scid  }
0x8b: {  	s0 =	sand.u32 $0x1, s1  }
0x8c: {  	s17 =	sshll.u32 s0, $0xA;
	s2 =	sadd.s32 s3, s2  }
0x8d: {  	s2 =	sadd.s32 s2, s17  }
0x8e: {  	[smem:$0x3FC5] =	sst s2  }
0x8f: {  	_ = 	snop  }
0x90: {  	(tm) =	ssettm $0x1  }
0x91: {  	s18 =	sld [smem:$0x3FFB];
	_ =	sdelay $0x3  }
0x92: {  	_ =	strace s18  }
0x93: {  	s2 =	sld [smem:$0x3FFC];
	_ =	sdelay $0x3  }
0x94: {  	_ =	strace s2  }
0x95: {  	s2 =	sld [smem:$0x3FFD];
	_ =	sdelay $0x3  }
0x96: {  	_ =	strace s2  }
0x97: {  	_ =	strace $0x8FFFFFFF  }
0x98: {  	s19 =	sld [smem:$0x3FDB];
	_ =	sdelay $0x1  }
0x99: {  	s20 =	simm.s32 $_scs_section_size  }
0x9a: {  	s4 =	simm.s32 $_size__tile_overlayer_lowered;
	s5 =	simm.s32 $_tile_overlayer_lowered  }
0x9b: {  	s6 =	simm.s32 $0x1BFF;
	s21 =	sshll.u32 s5, $0x1;
	s3 =	sadd.s32 s20, s19  }
0x9c: {  	s22 =	simm.s32 $0x0;
	s4 =	sshll.u32 s4, $0x1;
	s5 =	sadd.s32 s21, s3  }
0x9d: {  	[timem:s22], [sflag:s6] =	dma.local [hbm:s5], s4  }
0x9e: {  	_ =	swait.ge [sflag:s6], s4  }
0x9f: {  	s4 =	ssub.s32 $0x0, s4;
	[sflag:s6] =	ssyncset.done $0x0  }
0xa0: {  	[sflag:s6] =	ssyncadd.s32 s4;
	_ =	sdelay $0x1  }
0xa1: {  	s23 =	simm.s32 $0x1B8B  }
0xa2: {  	_ =	swait.ge [sflag:s23], $0x1  }
0xa3: {  	[sflag:s23] =	ssyncset.done $0x0  }
0xa4: {  	[sflag:s23] =	ssyncadd.s32 $0xFFFFFFFF  }
0xa5: {  	s4 =	sld [smem:$0x0]  }
0xa6: {  	s5 =	sand.u32 $0xFFFFFFFE, s1  }
0xa7: {  	p0 =	sne.s32 s1, s5  }
0xa8: {  	s5 =	sshll.u32 @p0 s5, $0xE  }
0xa9: {  	s5 =	sadd.s32 @p0 $0x11B8D, s5;
	s6 =	sshll.u32 @p0 s4, $0x11  }
0xaa: {  	s5 =	sor.u32 @p0 s6, s5  }
0xab: {  	[sflag:s5] =	ssyncadd.remote.s32 @p0 $0x1;
	_ =	sdelay $0x1  }
0xac: {  	s5 =	simm.s32 @p0 $0x1B8D  }
0xad: {  	_ =	swait.eq @p0 [sflag:s5], $0x1  }
0xae: {  	[sflag:s5] =	ssyncadd.s32 @p0 $0xFFFFFFFF  }
0xaf: {  	s6 =	sshll.u32 @!p0 s1, $0xE  }
0xb0: {  	s6 =	sor.u32 @!p0 $0x4000, s6;
	s5 =	simm.s32 @!p0 $0x1B8D  }
0xb1: {  	s4 =	sshll.u32 @!p0 s4, $0x11;
	s6 =	sadd.s32 @!p0 $0x11B8D, s6;
	_ =	swait.eq @!p0 [sflag:s5], $0x1  }
0xb2: {  	s4 =	sor.u32 @!p0 s4, s6;
	[sflag:s5] =	ssyncadd.s32 @!p0 $0xFFFFFFFF  }
0xb3: {  	s25 =	simm.s32 $0x1B8E;
	s24 =	sld [smem:$0x3FFE];
	[sflag:s4] =	ssyncadd.remote.s32 @!p0 $0x1  }
0xb4: {  	s26 =	simm.s32 $execute0_lowered;
	[smem:$0x3FD2] =	sst s25  }
0xb5: {  	s5 =	sshll.u32 s26, $0x1;
	_ =	strace $0x8000004C;
	[dreg:$0x1] =	wrdreg $0xFFFFFFFF  }
0xb6: {  	s28 =	simm.s32 $_size_execute0_lowered;
	s3 =	sadd.s32 s3, s5;
	[dreg:$0x0] =	wrdreg $0x0  }
0xb7: {  	s5 =	sshll.u32 s28, $0x1;
	[dreg:$0x2] =	wrdreg s3  }
0xb8: {  	[dreg:$0x3] =	wrdreg s5  }
0xb9: {  	[dreg:$0x4] =	wrdreg $0xC0  }
0xba: {  	_ =	task [dreg:s22], $0x5FFFF  }
0xbb: {  	[dreg:$0x1] =	wrdreg $0xFFFFFFFF  }
0xbc: {  	[dreg:$0x0] =	wrdreg $0x60  }
0xbd: {  	[dreg:$0x2] =	wrdreg s24  }
0xbe: {  	[dreg:$0x3] =	wrdreg $0x3000  }
0xbf: {  	[dreg:$0x4] =	wrdreg $0xB  }
0xc0: {  	_ =	task.clear_ibuf [dreg:s22], $0x5FFFF;
	_ =	strace $0x9000004C  }
0xc1: {  	s29 =	simm.s32 $0xB;
	_ =	strace $0x8000004E  }
0xc2: {  	_ =	swait.ge [sflag:s29], $0x1  }
0xc3: {  	[sflag:s29] =	ssyncadd.s32 $0xFFFFFFFF  }
0xc4: {  	_ =	strace $0x9000004E  }
0xc5: {  	_ =	sfence  }
0xc6: {  	s30 =	sld [smem:$0x0];
	_ =	sdelay $0x2  }
0xc7: {  	s31 =	sshll.u32 s1, $0xD;
	s1 =	sshrl.u32 s1, $0x2  }
0xc8: {  	s4 =	sand.u32 $0x4000, s31;
	s1 =	sadd.s32 s1, s30  }
0xc9: {  	s0 =	sor.u32 s4, s0;
	s1 =	sshll.u32 s1, $0x11  }
0xca: {  	s0 =	sor.u32 s1, s0  }
0xcb: {  	s0 =	sadd.s32 $0x8F2B, s0  }
0xcc: {  	[sflag:s0] =	ssyncadd.remote.s32 $0x1  }
0xcd: {  	_ =	sfence.sel $0xFFFF  }
0xce: {  	[dreg:$0x0] =	wrdreg $0xFFFFFFFF;
	(pc) =	sbr.abs _section_cstart, $3  }
0xcf: {  	[dreg:$0x1] =	wrdreg $0xFFFFFFFF  }
0xd0: {  	_ =	task.clear_ibuf [dreg:s22], $0x2FFFF;
	_ =	strace $0x9FFFFFFF  }
0xd1: {  	(tm) =	ssettm $0x7FFFFFFF  }
tec
execute0_lowered:
.L_overlay_start_1:
0x0: {  	(tag) =	ssettag $0x1  }
0x1: {  	s7 =	rddreg [dreg:$0x0]  }
0x2: {  	s1 =	rddreg [dreg:$0x1];
	s2 =	simm.s32 $0x0  }
0x3: {  	v0 =	vimm.f32 $0.0e+00;
	[smem:$0x7FF] =	sst s2  }
0x4: {  	s0 =	rddreg [dreg:$0x2];
	_ =	strace $0x8000004D;
	[tilespmem:$0x190] =	vst v0  }
0x5: {  	[tilespmem:$0x1A0] =	vst v0  }
0x6: {  	[tilespmem:$0x1B0] =	vst v0  }
0x7: {  	[tilespmem:$0x1C0] =	vst v0  }
0x8: {  	[tilespmem:$0x1D0] =	vst v0  }
0x9: {  	[tilespmem:$0x100] =	vst v0  }
0xa: {  	[tilespmem:$0x2F0] =	vst v0  }
0xb: {  	[tilespmem:$0x2E0] =	vst v0  }
0xc: {  	[tilespmem:$0x2D0] =	vst v0  }
0xd: {  	[tilespmem:$0x2C0] =	vst v0  }
0xe: {  	[tilespmem:$0x2B0] =	vst v0  }
0xf: {  	[tilespmem:$0x2A0] =	vst v0  }
0x10: {  	[tilespmem:$0x290] =	vst v0  }
0x11: {  	[tilespmem:$0x280] =	vst v0  }
0x12: {  	[tilespmem:$0x270] =	vst v0  }
0x13: {  	[tilespmem:$0x260] =	vst v0  }
0x14: {  	[tilespmem:$0x250] =	vst v0  }
0x15: {  	[tilespmem:$0x240] =	vst v0  }
0x16: {  	[tilespmem:$0x230] =	vst v0  }
0x17: {  	[tilespmem:$0x220] =	vst v0  }
0x18: {  	[tilespmem:$0x210] =	vst v0  }
0x19: {  	[tilespmem:$0x200] =	vst v0  }
0x1a: {  	[tilespmem:$0x1F0] =	vst v0  }
0x1b: {  	[tilespmem:$0x1E0] =	vst v0  }
0x1c: {  	[tilespmem:$0x180] =	vst v0  }
0x1d: {  	[tilespmem:$0x170] =	vst v0  }
0x1e: {  	[tilespmem:$0x160] =	vst v0  }
0x1f: {  	[tilespmem:$0x150] =	vst v0  }
0x20: {  	[tilespmem:$0x140] =	vst v0  }
0x21: {  	s9 =	stileid.u32;
	[tilespmem:$0x130] =	vst v0  }
0x22: {  	s3 =	sshll.u32 s9, $0x9;
	[tilespmem:$0x120] =	vst v0  }
0x23: {  	s5 =	simm.s32 $0x100;
	s4 =	sadd.s32 s3, s1;
	s3 =	simm.s32 $0x1;
	[tilespmem:$0x110] =	vst v0  }
0x24: {  	[spmem:s4] =	stream.linear.scatter [tilespmem:s5], [sflag:$0x1], $0x200, $0x38;
	[tilespmem:$0x500] =	vst v63  }
0x25: {  	_ =	swait.ge [sflag:s3], $0x200  }
0x26: {  	[sflag:s3] =	ssyncset.done $0x0  }
0x27: {  	v1 =	vimm.f32 $1.000000000e+00;
	[sflag:s3] =	ssyncadd.s32 $0xFFFFFE00  }
0x28: {  	s6 =	srdreg.scid;
	[tilespmem:$0xF0] =	vst v1  }
0x29: {  	s8 =	sand.u32 $0x1, s6;
	[tilespmem:$0xE0] =	vst v1  }
0x2a: {  	s6 =	sshll.u32 s8, $0x4;
	s11 =	ssub.s32 $0x2, s8;
	[tilespmem:$0xD0] =	vst v1  }
0x2b: {  	s10 =	sshll.u32 s9, $0x5;
	s6 =	sadd.s32 s7, s6;
	s30 =	sshrl.u32 s11, $0x1;
	[tilespmem:$0xC0] =	vst v1  }
0x2c: {  	s6 =	sadd.s32 s10, s6;
	s10 =	ssub.s32 s11, s30;
	[tilespmem:$0xB0] =	vst v1  }
0x2d: {  	s10 =	smax.u32 s10, $0x1;
	[tilespmem:$0xA0] =	vst v1  }
0x2e: {  	s10 =	sadd.s32 $0xFFFFFFFF, s10;
	[tilespmem:$0x90] =	vst v1  }
0x2f: {  	[tilespmem:$0x80] =	vst v1;
	p1 =	sne.s32 s10, $0x0  }
0x30: {  	[tilespmem:s2], [sflag:$0x1] =	stream.linear.gather [hbm4b:s6+s2], $0x80, $0x38;
	[tilespmem:$0x500] =	vst v63  }
.Ltmp0:
0x31: {  	_ =	swait.ge [sflag:s3], $0x80;
	(pc) =	sbr.rel @!p1 .LBB2_2-.Ltmp0, $4  }
0x32: {  	p0 =	sne.s32 s9, $0x0;
	s31 =	sshll.u32 s8, $0xA;
	[sflag:s3] =	ssyncset.done $0x0  }
0x33: {  	s8 =	simm.s32 $0x80;
	s7 =	sadd.s32 s31, s7;
	[sflag:s3] =	ssyncadd.s32 $0xFFFFFF80  }
0x34: {  	s9 =	sshrl.u32 @!p0 s1, $0x3;
	s7 =	sadd.s32 $0x200, s7;
	[bflag:$0x0] =	sbarrier.arrive $0xFFFF  }
0x35: {  	[spmem:s1] =	stream.indirect.scatter.add.f32 [tilespmem:s8], [sflag:$0x1], $0x1, s2, s8, $0xb8;
	[tilespmem:$0x500] =	vst v63  }
.LBB2_1:
0x36: {  	s10 =	sadd.s32 $0xFFFFFFFF, s10;
	_ =	swait.ge [sflag:s3], $0x80  }
0x37: {  	p1 =	sne.s32 s10, $0x0;
	[sflag:s3] =	ssyncset.done $0x0  }
0x38: {  	s11 =	simm.s32 @!p0 $0x1C01;
	[sflag:s3] =	ssyncadd.s32 $0xFFFFFF80  }
0x39: {  	s12 =	simm.s32 @!p0 $0x1;
	[bflag:$0x0] =	sbarrier.arrive $0xFFFF  }
0x3a: {  	[hbm:s7], [sflag:s11] =	dma.local @!p0 [spmem:s9], $0x400  }
0x3b: {  	_ =	swait.ge @!p0 [sflag:s12], $0x400  }
0x3c: {  	[sflag:s12] =	ssyncset.done @!p0 $0x0  }
0x3d: {  	[sflag:s12] =	ssyncadd.s32 @!p0 $0xFFFFFC00  }
0x3e: {  	[tilespmem:$0x190] =	vst v0  }
0x3f: {  	[tilespmem:$0x1A0] =	vst v0  }
0x40: {  	[tilespmem:$0x1B0] =	vst v0  }
0x41: {  	[tilespmem:$0x1C0] =	vst v0  }
0x42: {  	[tilespmem:$0x1D0] =	vst v0  }
0x43: {  	[tilespmem:$0x100] =	vst v0  }
0x44: {  	[tilespmem:$0x2F0] =	vst v0  }
0x45: {  	[tilespmem:$0x2E0] =	vst v0  }
0x46: {  	[tilespmem:$0x2D0] =	vst v0  }
0x47: {  	[tilespmem:$0x2C0] =	vst v0  }
0x48: {  	[tilespmem:$0x2B0] =	vst v0  }
0x49: {  	[tilespmem:$0x2A0] =	vst v0  }
0x4a: {  	[tilespmem:$0x290] =	vst v0  }
0x4b: {  	[tilespmem:$0x280] =	vst v0  }
0x4c: {  	[tilespmem:$0x270] =	vst v0  }
0x4d: {  	[tilespmem:$0x260] =	vst v0  }
0x4e: {  	[tilespmem:$0x250] =	vst v0  }
0x4f: {  	[tilespmem:$0x240] =	vst v0  }
0x50: {  	[tilespmem:$0x230] =	vst v0  }
0x51: {  	[tilespmem:$0x220] =	vst v0  }
0x52: {  	[tilespmem:$0x210] =	vst v0  }
0x53: {  	[tilespmem:$0x200] =	vst v0  }
0x54: {  	[tilespmem:$0x1F0] =	vst v0  }
0x55: {  	[tilespmem:$0x1E0] =	vst v0  }
0x56: {  	[tilespmem:$0x180] =	vst v0  }
0x57: {  	[tilespmem:$0x170] =	vst v0  }
0x58: {  	[tilespmem:$0x160] =	vst v0  }
0x59: {  	[tilespmem:$0x150] =	vst v0  }
0x5a: {  	[tilespmem:$0x140] =	vst v0  }
0x5b: {  	[tilespmem:$0x130] =	vst v0  }
0x5c: {  	[tilespmem:$0x120] =	vst v0  }
0x5d: {  	[tilespmem:$0x110] =	vst v0  }
0x5e: {  	[spmem:s4] =	stream.linear.scatter [tilespmem:s5], [sflag:$0x1], $0x200, $0x38;
	[tilespmem:$0x500] =	vst v63  }
0x5f: {  	_ =	swait.ge [sflag:s3], $0x200  }
0x60: {  	[sflag:s3] =	ssyncset.done $0x0  }
0x61: {  	[sflag:s3] =	ssyncadd.s32 $0xFFFFFE00  }
0x62: {  	[tilespmem:$0xF0] =	vst v1  }
0x63: {  	[tilespmem:$0xE0] =	vst v1  }
0x64: {  	[tilespmem:$0xD0] =	vst v1  }
0x65: {  	[tilespmem:$0xC0] =	vst v1  }
0x66: {  	[tilespmem:$0xB0] =	vst v1  }
0x67: {  	[tilespmem:$0xA0] =	vst v1  }
0x68: {  	[tilespmem:$0x90] =	vst v1  }
0x69: {  	[tilespmem:$0x80] =	vst v1  }
0x6a: {  	[tilespmem:s2], [sflag:$0x1] =	stream.linear.gather [hbm4b:s6+s2], $0x80, $0x38;
	[tilespmem:$0x500] =	vst v63  }
.Ltmp1:
0x6b: {  	_ =	swait.ge [sflag:s3], $0x80;
	(pc) =	sbr.rel @p1 .LBB2_1-.Ltmp1, $4  }
0x6c: {  	[sflag:s3] =	ssyncset.done $0x0  }
0x6d: {  	[sflag:s3] =	ssyncadd.s32 $0xFFFFFF80  }
0x6e: {  	[bflag:$0x0] =	sbarrier.arrive $0xFFFF  }
0x6f: {  	[spmem:s1] =	stream.indirect.scatter.add.f32 [tilespmem:s8], [sflag:$0x1], $0x1, s2, s8, $0xb8;
	[tilespmem:$0x500] =	vst v63  }
.LBB2_2:
0x70: {  	_ =	swait.ge [sflag:s3], $0x80  }
0x71: {  	[sflag:s3] =	ssyncset.done $0x0  }
0x72: {  	[sflag:s3] =	ssyncadd.s32 $0xFFFFFF80  }
0x73: {  	s1 =	simm.s32 @!p0 $0x1C01;
	s2 =	simm.s32 @!p0 $0x1;
	[bflag:$0x0] =	sbarrier.arrive $0xFFFF  }
0x74: {  	[hbm:s7], [sflag:s1] =	dma.local @!p0 [spmem:s9], $0x400  }
0x75: {  	_ =	swait.ge @!p0 [sflag:s2], $0x400  }
0x76: {  	[sflag:s2] =	ssyncset.done @!p0 $0x0  }
0x77: {  	[sflag:s2] =	ssyncadd.s32 @!p0 $0xFFFFFC00  }
0x78: {  	_ =	sfence.sel $0x180000  }
0x79: {  	[bflag:$0x0] =	sbarrier.arrive $0xFFFF  }
0x7a: {  	_ =	strace $0x9000004D  }
0x7b: {  	s0 =	sadd.s32 @!p0 $0x100000, s0;
	[bflag:$0x2] =	sbarrier.arrive $0xFFFF  }
0x7c: {  	[sflag:s0] =	ssyncadd.tile.s32 @!p0 $0x1;
	_ =	shalt  }
.Lfunc_end2:
_tile_overlayer_lowered:
.L_overlay_start_2:
0x7d: {  	(tag) =	ssettag $0x2  }
0x7e: {  	s0 =	rddreg [dreg:$0x0];
	s2 =	stileid.u32  }
0x7f: {  	s1 =	rddreg [dreg:$0x1];
	p0 =	sne.s32 s2, $0x0  }
0x80: {  	s3 =	rddreg [dreg:$0x2];
	[bflag:$0x3] =	sbarrier.arrive $0xFFFF;
	s2 =	simm.s32 @!p0 $0x1C01  }
0x81: {  	[timem:s3], [sflag:s2] =	dma.local @!p0 [hbm:s0], s1  }
0x82: {  	s0 =	simm.s32 @!p0 $0x1  }
0x83: {  	_ =	swait.ge @!p0 [sflag:s0], s1  }
0x84: {  	s1 =	ssub.s32 @!p0 $0x0, s1;
	[sflag:s0] =	ssyncset.done @!p0 $0x0  }
0x85: {  	[sflag:s0] =	ssyncadd.s32 @!p0 s1  }
0x86: {  	[bflag:$0x3] =	sbarrier.arrive $0xFFFF  }
0x87: {  	_ =	shalt  }

// kernel: kernel.8.cloned.1.call-start
scs
__scs_entry_jumppad:
0x0: {  	(pc) =	sbr.rel $0x88, $3  }
0x1: {  	(tag) =	ssettag $0x0;
	lr =	simm.s32 $0x1  }
0x2: {  	[smem:$0x3F9E] =	sst lr;
	_ =	strace $0xD0000000  }
0x3: {  	_ = 	snop  }
0x4: {  	_ = 	snop  }
0x5: {  	_ = 	snop  }
0x6: {  	_ = 	snop  }
0x7: {  	_ = 	snop  }
__scs_overlays_trampoline_lowered:
0x8: {  	[smem:$0x3FAD] =	sst s0  }
0x9: {  	[smem:$0x3FAE] =	sst s1  }
0xa: {  	[smem:$0x3FAF] =	sst s2  }
0xb: {  	[smem:$0x3FB0] =	sst s3  }
0xc: {  	[smem:$0x3FB1] =	sst s4  }
0xd: {  	[smem:$0x3FB2] =	sst s5  }
0xe: {  	[smem:$0x3FB3] =	sst s6  }
0xf: {  	[smem:$0x3FB4] =	sst s7  }
0x10: {  	[smem:$0x3FB5] =	sst s8  }
0x11: {  	[smem:$0x3FB6] =	sst s9;
	s0 =	simm.s32 @!p0 $0x0  }
0x12: {  	s1 =	sld [smem:$0x3F9C];
	s0 =	simm.s32 @p0 $0x1  }
0x13: {  	[smem:$0x3FB7] =	sst s0;
	s0 =	simm.s32 @!p1 $0x0  }
0x14: {  	s2 =	sld [smem:$0x3F9B];
	s0 =	simm.s32 @p1 $0x1  }
0x15: {  	[smem:$0x3FB8] =	sst s0;
	s0 =	simm.s32 @!p2 $0x0  }
0x16: {  	s3 =	sld [smem:$0x3FDB];
	s0 =	simm.s32 @p2 $0x1  }
0x17: {  	s4 =	simm.s32 $0x1BF5;
	[smem:$0x3FBA] =	sst s0  }
0x18: {  	s0 =	sld [smem:$0x3F9D];
	_ =	swait.ge [sflag:s4], $0x0  }
0x19: {  	s7 =	sld [smem:$0x3F9E]  }
0x1a: {  	s8 =	sadd.s32 $0xFFFFE003, lr  }
0x1b: {  	s9 =	sadd.s32 $0xFFFFFEF7, lr;
	s5 =	simm.s32 $0xFFFFFFFF;
	p2 =	slt.u32 s8, $0xFFFFF086  }
0x1c: {  	p1 =	slt.u32 s9, $0xF7A;
	s5 =	simm.s32 @!p2 $0x0  }
0x1d: {  	s5 =	simm.s32 @p1 $0x1;
	p0 =	seq.s32 s7, s2  }
0x1e: {  	s7 =	smul.u32 @!p0 $0xF7A, s2;
	p2 =	seq.s32 @!p0 s5, $0x0  }
0x1f: {  	s9 =	smul.u32 $0xF7A, s1;
	s8 =	simm.s32 @!p0 $0x1BF5;
	p2 =	por !p2, p0  }
0x20: {  	[sflag:s8] =	ssyncset.s32 @!p0 $0xFFFFF086;
	s6 =	sadd.s32 @!p0 s3, s7;
	s7 =	simm.s32 @!p0 $0x108  }
0x21: {  	s3 =	sadd.s32 s3, s9;
	s6 =	sadd.s32 @!p0 $0x88, s6;
	s7 =	simm.s32 @p2 $0x1082  }
0x22: {  	[simem:s7], [sflag:s8] =	dma.local @!p0 [hbm:s6], $0xF7A  }
0x23: {  	s9 =	sor.u32 $0xD0000000, s2;
	s6 =	simm.s32 $0x108;
	_ =	swait.ge @!p0 [sflag:s8], $0x0  }
0x24: {  	s3 =	sadd.s32 $0x88, s3;
	s6 =	simm.s32 @!p1 $0x1082;
	[sflag:s4] =	ssyncset.s32 $0xFFFFF086  }
0x25: {  	[simem:s6], [sflag:s4] =	dma.local [hbm:s3], $0xF7A  }
0x26: {  	[smem:$0x3F9E] =	sst s1;
	(tag) =	ssettag s2;
	_ =	strace s9  }
0x27: {  	s1 =	sld [smem:$0x3FAE]  }
0x28: {  	s2 =	sld [smem:$0x3FAF]  }
0x29: {  	s4 =	sld [smem:$0x3FB1]  }
0x2a: {  	p0 =	seq.s32 s5, $0x0;
	s5 =	sld [smem:$0x3FB2]  }
0x2b: {  	s6 =	sld [smem:$0x3FB3]  }
0x2c: {  	s7 =	sld [smem:$0x3FB4]  }
0x2d: {  	s3 =	simm.s32 $0x108;
	s8 =	sld [smem:$0x3FB5]  }
0x2e: {  	s3 =	simm.s32 @!p0 $0x1082;
	s9 =	sld [smem:$0x3FB6]  }
0x2f: {  	lr =	sadd.s32 s0, s3;
	s0 =	sld [smem:$0x3FAD]  }
0x30: {  	s3 =	sld [smem:$0x3FB0]  }
0x31: {  	[smem:$0x3FB9] =	sst s10  }
0x32: {  	s10 =	sld [smem:$0x3FB7];
	_ =	sdelay $0x3  }
0x33: {  	p0 =	seq.s32 s10, $0x1;
	s10 =	sld [smem:$0x3FB9];
	_ =	sdelay $0x3  }
0x34: {  	[smem:$0x3FB9] =	sst s10  }
0x35: {  	s10 =	sld [smem:$0x3FB8];
	_ =	sdelay $0x3  }
0x36: {  	p1 =	seq.s32 s10, $0x1;
	s10 =	sld [smem:$0x3FB9];
	_ =	sdelay $0x3  }
0x37: {  	[smem:$0x3FB9] =	sst s10  }
0x38: {  	s10 =	sld [smem:$0x3FBA]  }
0x39: {  	_ = 	snop;
	(pc) =	sbr.ind lr, $3  }
0x3a: {  	_ = 	snop  }
0x3b: {  	_ = 	snop  }
0x3c: {  	p2 =	seq.s32 s10, $0x1;
	s10 =	sld [smem:$0x3FB9]  }
0x3d: {  	_ =	shalt  }
0x3e: {  	_ =	shalt  }
0x3f: {  	_ =	shalt  }
0x40: {  	_ =	shalt  }
0x41: {  	_ =	shalt  }
0x42: {  	_ =	shalt  }
0x43: {  	_ =	shalt  }
0x44: {  	_ =	shalt  }
0x45: {  	_ =	shalt  }
0x46: {  	_ =	shalt  }
0x47: {  	_ =	shalt  }
0x48: {  	_ =	shalt  }
0x49: {  	_ =	shalt  }
0x4a: {  	_ =	shalt  }
0x4b: {  	_ =	shalt  }
0x4c: {  	_ =	shalt  }
0x4d: {  	_ =	shalt  }
0x4e: {  	_ =	shalt  }
0x4f: {  	_ =	shalt  }
0x50: {  	_ =	shalt  }
0x51: {  	_ =	shalt  }
0x52: {  	_ =	shalt  }
0x53: {  	_ =	shalt  }
0x54: {  	_ =	shalt  }
0x55: {  	_ =	shalt  }
0x56: {  	_ =	shalt  }
0x57: {  	_ =	shalt  }
0x58: {  	_ =	shalt  }
0x59: {  	_ =	shalt  }
0x5a: {  	_ =	shalt  }
0x5b: {  	_ =	shalt  }
0x5c: {  	_ =	shalt  }
0x5d: {  	_ =	shalt  }
0x5e: {  	_ =	shalt  }
0x5f: {  	_ =	shalt  }
0x60: {  	_ =	shalt  }
0x61: {  	_ =	shalt  }
0x62: {  	_ =	shalt  }
0x63: {  	_ =	shalt  }
0x64: {  	_ =	shalt  }
0x65: {  	_ =	shalt  }
0x66: {  	_ =	shalt  }
0x67: {  	_ =	shalt  }
0x68: {  	_ =	shalt  }
0x69: {  	_ =	shalt  }
0x6a: {  	_ =	shalt  }
0x6b: {  	_ =	shalt  }
0x6c: {  	_ =	shalt  }
0x6d: {  	_ =	shalt  }
0x6e: {  	_ =	shalt  }
0x6f: {  	_ =	shalt  }
0x70: {  	_ =	shalt  }
0x71: {  	_ =	shalt  }
0x72: {  	_ =	shalt  }
0x73: {  	_ =	shalt  }
0x74: {  	_ =	shalt  }
0x75: {  	_ =	shalt  }
0x76: {  	_ =	shalt  }
0x77: {  	_ =	shalt  }
0x78: {  	_ =	shalt  }
0x79: {  	_ =	shalt  }
0x7a: {  	_ =	shalt  }
0x7b: {  	_ =	shalt  }
0x7c: {  	_ =	shalt  }
0x7d: {  	_ =	shalt  }
0x7e: {  	_ =	shalt  }
0x7f: {  	_ =	shalt  }
0x80: {  	_ =	shalt  }
0x81: {  	_ =	shalt  }
0x82: {  	_ =	shalt  }
0x83: {  	_ =	shalt  }
0x84: {  	_ =	shalt  }
0x85: {  	_ =	shalt  }
0x86: {  	_ =	shalt  }
0x87: {  	_ =	shalt  }
.Lfunc_end0:
.L_simem_size_0:
called_computation_lowered:
.L_overlay_start_0:
0x88: {  	s2 =	sld [smem:$0x3FD9]  }
0x89: {  	s3 =	sld [smem:$0x3FFE];
	_ =	sdelay $0x1  }
0x8a: {  	s1 =	srdreg.scid  }
0x8b: {  	s0 =	sand.u32 $0x1, s1  }
0x8c: {  	s14 =	sshll.u32 s0, $0xA;
	s2 =	sadd.s32 s3, s2  }
0x8d: {  	s2 =	sadd.s32 s2, s14  }
0x8e: {  	[smem:$0x3FC5] =	sst s2  }
0x8f: {  	_ = 	snop  }
0x90: {  	s2 =	sld [smem:$0x3FD0];
	_ =	sdelay $0x2  }
0x91: {  	s15 =	simm.s32 $0xC;
	s4 =	simm.s32 $0x10  }
0x92: {  	[smem:s4], [sflag:s15] =	dma.local [hbm:s2], $0x1  }
0x93: {  	_ =	swait.eq [sflag:s15], $0x1  }
0x94: {  	[sflag:s15] =	ssyncset.done $0x0  }
0x95: {  	s16 =	sld [smem:$0x12];
	[sflag:s15] =	ssyncadd.s32 $0xFFFFFFFF  }
0x96: {  	s17 =	sld [smem:$0x13];
	(tm) =	ssettm $0x1  }
0x97: {  	s18 =	sld [smem:$0x3FFB];
	_ =	sdelay $0x3  }
0x98: {  	_ =	strace s18  }
0x99: {  	s4 =	sld [smem:$0x3FFC];
	_ =	sdelay $0x3  }
0x9a: {  	_ =	strace s4  }
0x9b: {  	s4 =	sld [smem:$0x3FFD];
	_ =	sdelay $0x3  }
0x9c: {  	_ =	strace s4  }
0x9d: {  	_ =	strace $0x8FFFFFFF  }
0x9e: {  	s19 =	sld [smem:$0x3FDB];
	_ =	sdelay $0x1  }
0x9f: {  	s5 =	simm.s32 $_scs_section_size  }
0xa0: {  	s6 =	simm.s32 $_size__tile_overlayer_lowered;
	s7 =	simm.s32 $_tile_overlayer_lowered  }
0xa1: {  	s22 =	simm.s32 $0x1BFF;
	s21 =	sshll.u32 s7, $0x1;
	s4 =	sadd.s32 s5, s19  }
0xa2: {  	s8 =	simm.s32 $0x0;
	s20 =	sshll.u32 s6, $0x1;
	s6 =	sadd.s32 s21, s4  }
0xa3: {  	[timem:s8], [sflag:s22] =	dma.local [hbm:s6], s20  }
0xa4: {  	_ =	swait.ge [sflag:s22], s20  }
0xa5: {  	s5 =	ssub.s32 $0x0, s20;
	[sflag:s22] =	ssyncset.done $0x0  }
0xa6: {  	[sflag:s22] =	ssyncadd.s32 s5;
	_ =	sdelay $0x1  }
0xa7: {  	s23 =	simm.s32 $0x1B8B  }
0xa8: {  	_ =	swait.ge [sflag:s23], $0x1  }
0xa9: {  	[sflag:s23] =	ssyncset.done $0x0  }
0xaa: {  	s25 =	simm.s32 $0x1B8E;
	s24 =	sld [smem:$0x3FFE];
	[sflag:s23] =	ssyncadd.s32 $0xFFFFFFFF  }
0xab: {  	s26 =	simm.s32 $execute0_lowered;
	[smem:$0x3FD2] =	sst s25  }
0xac: {  	s6 =	sshll.u32 s26, $0x1;
	_ =	strace $0x80000046;
	[dreg:$0x1] =	wrdreg $0xFFFFFFFF  }
0xad: {  	s28 =	simm.s32 $_size_execute0_lowered;
	s4 =	sadd.s32 s4, s6;
	[dreg:$0x0] =	wrdreg $0x0  }
0xae: {  	s6 =	sshll.u32 s28, $0x1;
	[dreg:$0x2] =	wrdreg s4  }
0xaf: {  	[dreg:$0x3] =	wrdreg s6  }
0xb0: {  	[dreg:$0x4] =	wrdreg $0xC0  }
0xb1: {  	_ =	task [dreg:s8], $0x5FFFF  }
0xb2: {  	[dreg:$0x1] =	wrdreg $0xFFFFFFFF  }
0xb3: {  	[dreg:$0x0] =	wrdreg $0x60  }
0xb4: {  	[dreg:$0x2] =	wrdreg s24  }
0xb5: {  	[dreg:$0x3] =	wrdreg s17  }
0xb6: {  	[dreg:$0x4] =	wrdreg s16  }
0xb7: {  	[dreg:$0x5] =	wrdreg $0xA  }
0xb8: {  	_ =	task.clear_ibuf [dreg:s8], $0x6FFFF;
	_ =	strace $0x90000046  }
0xb9: {  	s29 =	simm.s32 $0xA;
	_ =	strace $0x80000048  }
0xba: {  	_ =	swait.ge [sflag:s29], $0x1  }
0xbb: {  	[sflag:s29] =	ssyncadd.s32 $0xFFFFFFFF  }
0xbc: {  	_ =	strace $0x90000048  }
0xbd: {  	_ =	sfence  }
0xbe: {  	s30 =	sld [smem:$0x0];
	_ =	sdelay $0x2  }
0xbf: {  	s31 =	sshll.u32 s1, $0xD;
	s1 =	sshrl.u32 s1, $0x2  }
0xc0: {  	s3 =	sand.u32 $0x4000, s31;
	s1 =	sadd.s32 s1, s30  }
0xc1: {  	s0 =	sor.u32 s3, s0;
	s1 =	sshll.u32 s1, $0x11  }
0xc2: {  	s0 =	sor.u32 s1, s0  }
0xc3: {  	s0 =	sadd.s32 $0x8F2B, s0  }
0xc4: {  	[sflag:s0] =	ssyncadd.remote.s32 $0x1  }
0xc5: {  	_ =	sfence.sel $0xFFFF  }
0xc6: {  	[dreg:$0x0] =	wrdreg $0xFFFFFFFF;
	(pc) =	sbr.abs _section_cstart, $3  }
0xc7: {  	[dreg:$0x1] =	wrdreg $0xFFFFFFFF  }
0xc8: {  	_ =	task.clear_ibuf [dreg:s8], $0x2FFFF;
	_ =	strace $0x9FFFFFFF  }
0xc9: {  	(tm) =	ssettm $0x7FFFFFFF  }
tec
execute0_lowered:
.L_overlay_start_1:
0x0: {  	(tag) =	ssettag $0x1  }
0x1: {  	s1 =	rddreg [dreg:$0x0]  }
0x2: {  	s6 =	rddreg [dreg:$0x1]  }
0x3: {  	s7 =	rddreg [dreg:$0x2];
	s3 =	srdreg.scid  }
0x4: {  	s0 =	rddreg [dreg:$0x3];
	s2 =	stileid.u32  }
0x5: {  	s12 =	simm.s32 $0x2080;
	s13 =	simm.s32 $0x0;
	s4 =	sand.u32 $0x1, s3  }
0x6: {  	s3 =	simm.s32 $0x0;
	s5 =	sshll.u32 s2, $0x8;
	s8 =	sshll.u32 s4, $0x7  }
0x7: {  	[smem:$0x7FF] =	sst s3;
	s4 =	ssub.s32 $0x2, s4;
	s5 =	sor.u32 s8, s5  }
0x8: {  	_ =	strace $0x80000047;
	s31 =	sshrl.u32 s4, $0x1;
	s8 =	sshrl.u32 s5, $0x3  }
0x9: {  	s9 =	sshll.u32 s5, $0x3;
	s11 =	ssub.s32 s4, s31;
	s8 =	sadd.s32 s8, s1  }
0xa: {  	s10 =	sadd.s32 s9, s1;
	s6 =	sadd.s32 s6, s9;
	s7 =	sadd.s32 s7, s9  }
0xb: {  	s9 =	simm.s32 $0x2;
	s4 =	sadd.s32 $0x10000, s8;
	s5 =	sadd.s32 $0x10200, s10  }
0xc: {  	s8 =	smax.u32 s11, $0x1;
	s10 =	simm.s32 $0x80;
	s11 =	simm.s32 $0x1  }
.LBB2_1:
0xd: {  	[tilespmem:s3], [sflag:$0x2] =	stream.linear.gather [hbm4b:s4+s3], $0x80, $0x38;
	[tilespmem:$0x4080] =	vst v63  }
0xe: {  	_ =	swait.ge [sflag:s9], $0x80  }
0xf: {  	[sflag:s9] =	ssyncset.done $0x0  }
0x10: {  	[sflag:s9] =	ssyncadd.s32 $0xFFFFFF80  }
0x11: {  	[tilespmem:s10], [sflag:$0x1] =	stream.indirect.gather [hbm4b:s1+s10], $0x40, s3, s10, $0xb8;
	[tilespmem:$0x4080] =	vst v63  }
0x12: {  	_ =	swait.ge [sflag:s11], $0x2000  }
0x13: {  	[sflag:s11] =	ssyncset.done $0x0  }
0x14: {  	[sflag:s11] =	ssyncadd.s32 $0xFFFFE000  }
0x15: {  	[hbm4b:s5+s3] =	stream.linear.scatter [tilespmem:s10], [sflag:$0x2], $0x2000, $0x38;
	[tilespmem:$0x4080] =	vst v63  }
0x16: {  	_ =	swait.ge [sflag:s9], $0x2000  }
0x17: {  	[sflag:s9] =	ssyncset.done $0x0  }
0x18: {  	[sflag:s9] =	ssyncadd.s32 $0xFFFFE000  }
0x19: {  	[tilespmem:s12], [sflag:$0x2] =	stream.linear.gather [hbm4b:s6+s3], $0x2000, $0x38;
	[tilespmem:$0x4080] =	vst v63  }
0x1a: {  	_ =	swait.ge [sflag:s9], $0x2000  }
0x1b: {  	[sflag:s9] =	ssyncset.done $0x0  }
0x1c: {  	s14 =	simm.s32 $0x0;
	[sflag:s9] =	ssyncadd.s32 $0xFFFFE000  }
0x1d: {  	v5 =	vld [tilespmem:s14+$0x2080]  }
0x1e: {  	v6 =	vld [tilespmem:s14+$0x2090]  }
0x1f: {  	v1 =	vld [tilespmem:s14+$0x20A0]  }
0x20: {  	v0 =	vld [tilespmem:s14+$0x20B0]  }
0x21: {  	v2 =	vld [tilespmem:s14+$0x80]  }
0x22: {  	v4 =	vld [tilespmem:s14+$0x90]  }
0x23: {  	s15 =	simm.s32 $0x100;
	v3 =	vld [tilespmem:s14+$0xA0]  }
.LBB2_2:
0x24: {  	s16 =	sshra.s32 s15, $0x2;
	p0 =	sne.s32 s15, $0x7F00;
	v7 =	vld [tilespmem:s14+$0xB0];
	v8 =	vmov v1  }
0x25: {  	v9 =	vld [tilespmem:s16+$0x2080];
	v10 =	vmov v0  }
0x26: {  	v11 =	vld [tilespmem:s16+$0x2090];
	v2 =	vsub.f32 v5, v2  }
.Ltmp0:
0x27: {  	v1 =	vld [tilespmem:s16+$0x20A0];
	v4 =	vsub.f32 v6, v4;
	(pc) =	sbr.rel @p0 .LBB2_2-.Ltmp0, $4  }
0x28: {  	v0 =	vld [tilespmem:s16+$0x20B0];
	[tilespmem:s14+$0x80] =	vst v2;
	v3 =	vsub.f32 v8, v3  }
0x29: {  	v2 =	vld [tilespmem:s16+$0x80];
	[tilespmem:s14+$0x90] =	vst v4;
	v7 =	vsub.f32 v10, v7  }
0x2a: {  	v4 =	vld [tilespmem:s16+$0x90];
	[tilespmem:s14+$0xA0] =	vst v3;
	v5 =	vmov v9  }
0x2b: {  	s15 =	sadd.s32 $0x100, s15;
	v3 =	vld [tilespmem:s16+$0xA0];
	[tilespmem:s14+$0xB0] =	vst v7;
	v6 =	vmov v11;
	s14 =	smov.u32 s16  }
0x2c: {  	v7 =	vld [tilespmem:s14+$0xB0];
	_ =	sdelay $0x1  }
0x2d: {  	v2 =	vsub.f32 v5, v2  }
0x2e: {  	v4 =	vsub.f32 v6, v4  }
0x2f: {  	[tilespmem:s14+$0x80] =	vst v2;
	v1 =	vsub.f32 v1, v3  }
0x30: {  	s13 =	sadd.s32 $0x1, s13;
	[tilespmem:s14+$0x90] =	vst v4;
	v0 =	vsub.f32 v0, v7  }
0x31: {  	p0 =	sne.s32 s13, s8;
	[tilespmem:s14+$0xA0] =	vst v1  }
.Ltmp1:
0x32: {  	[tilespmem:s14+$0xB0] =	vst v0;
	(pc) =	sbr.rel @p0 .LBB2_1-.Ltmp1, $4  }
0x33: {  	[hbm4b:s7+s3] =	stream.linear.scatter [tilespmem:s10], [sflag:$0x2], $0x2000, $0x38;
	[tilespmem:$0x4080] =	vst v63  }
0x34: {  	_ =	swait.ge [sflag:s9], $0x2000  }
0x35: {  	[sflag:s9] =	ssyncset.done $0x0  }
0x36: {  	[sflag:s9] =	ssyncadd.s32 $0xFFFFE000  }
0x37: {  	_ =	sfence.sel $0x180000  }
0x38: {  	[bflag:$0x0] =	sbarrier.arrive $0xFFFF  }
0x39: {  	p0 =	sne.s32 s2, $0x0;
	_ =	strace $0x90000047  }
0x3a: {  	s0 =	sadd.s32 @!p0 $0x100000, s0;
	[bflag:$0x2] =	sbarrier.arrive $0xFFFF  }
0x3b: {  	[sflag:s0] =	ssyncadd.tile.s32 @!p0 $0x1;
	_ =	shalt  }
.Lfunc_end2:
_tile_overlayer_lowered:
.L_overlay_start_2:
0x3c: {  	(tag) =	ssettag $0x2  }
0x3d: {  	s0 =	rddreg [dreg:$0x0];
	s2 =	stileid.u32  }
0x3e: {  	s1 =	rddreg [dreg:$0x1];
	p0 =	sne.s32 s2, $0x0  }
0x3f: {  	s3 =	rddreg [dreg:$0x2];
	[bflag:$0x3] =	sbarrier.arrive $0xFFFF;
	s2 =	simm.s32 @!p0 $0x1C02  }
0x40: {  	[timem:s3], [sflag:s2] =	dma.local @!p0 [hbm:s0], s1  }
0x41: {  	s0 =	simm.s32 @!p0 $0x2  }
0x42: {  	_ =	swait.ge @!p0 [sflag:s0], s1  }
0x43: {  	s1 =	ssub.s32 @!p0 $0x0, s1;
	[sflag:s0] =	ssyncset.done @!p0 $0x0  }
0x44: {  	[sflag:s0] =	ssyncadd.s32 @!p0 s1  }
0x45: {  	[bflag:$0x3] =	sbarrier.arrive $0xFFFF  }
0x46: {  	_ =	shalt  }

</sc_bundles>
